<compile_context>
chip_gen: v7x
topology: tpu7x:2x2x1
jax: 0.10.2.dev20260603
libtpu: 0.0.44.dev20260713+nightly
codegen_flags: <defaults>
</compile_context>

<pallas_src>
import functools

import jax
import jax.numpy as jnp
from jax import lax
from jax.experimental import pallas as pl
from jax.experimental.pallas import tpu as pltpu
from jax.experimental.pallas import tpu_sc as plsc

_B = 1024
_NEL = 19
_N = _B * _NEL
_EPG = 60
_E = _B * _EPG
_EPS = 1e-5

_NC = 2
_NS = 16
_NW = _NC * _NS

_F32 = jnp.float32
_NEG = -3.0e38



_RB1 = 608


def _k1_body(x_ref, w_ref, b_ref, z_ref, s_ref, q_ref):
    z = jnp.maximum(
        lax.dot_general(x_ref[...], w_ref[...], (((1,), (0,)), ((), ())),
                        preferred_element_type=_F32, precision=lax.Precision.DEFAULT) + b_ref[...],
        0.0)
    z_ref[...] = z
    zs = z.reshape(_RB1 // _NEL, _NEL, z.shape[-1])
    ps = jnp.sum(zs, axis=0)
    pq = jnp.sum(zs * zs, axis=0)

    @pl.when(pl.program_id(0) == 0)
    def _():
        s_ref[...] = ps
        q_ref[...] = pq

    @pl.when(pl.program_id(0) != 0)
    def _():
        s_ref[...] += ps
        q_ref[...] += pq


def _stage1(x, w2t, b2):
    grid = _N // _RB1
    return pl.pallas_call(
        _k1_body,
        grid=(grid,),
        in_specs=[
            pl.BlockSpec((_RB1, 800), lambda i: (i, 0)),
            pl.BlockSpec((800, 256), lambda i: (0, 0)),
            pl.BlockSpec((1, 256), lambda i: (0, 0)),
        ],
        out_specs=[
            pl.BlockSpec((_RB1, 256), lambda i: (i, 0)),
            pl.BlockSpec((_NEL, 256), lambda i: (0, 0)),
            pl.BlockSpec((_NEL, 256), lambda i: (0, 0)),
        ],
        out_shape=[
            jax.ShapeDtypeStruct((_N, 256), _F32),
            jax.ShapeDtypeStruct((_NEL, 256), _F32),
            jax.ShapeDtypeStruct((_NEL, 256), _F32),
        ],
    )(x, w2t, b2)



_RB2 = 1216


def _mlp_body(z_ref, s_ref, t_ref, w_ref, b_ref, o_ref, ss_ref, qq_ref):
    h = z_ref[...] * s_ref[...] + t_ref[...]
    z = jnp.maximum(
        lax.dot_general(h, w_ref[...], (((1,), (0,)), ((), ())),
                        preferred_element_type=_F32, precision=lax.Precision.DEFAULT) + b_ref[...],
        0.0)
    o_ref[...] = z
    zs = z.reshape(_RB2 // _NEL, _NEL, z.shape[-1])
    ps = jnp.sum(zs, axis=0)
    pq = jnp.sum(zs * zs, axis=0)

    @pl.when(pl.program_id(0) == 0)
    def _():
        ss_ref[...] = ps
        qq_ref[...] = pq

    @pl.when(pl.program_id(0) != 0)
    def _():
        ss_ref[...] += ps
        qq_ref[...] += pq


def _stage_mlp(z, s_rows, t_rows, wt, b, fout):
    fin = z.shape[-1]
    grid = _N // _RB2
    return pl.pallas_call(
        _mlp_body,
        grid=(grid,),
        in_specs=[
            pl.BlockSpec((_RB2, fin), lambda i: (i, 0)),
            pl.BlockSpec((_RB2, 1), lambda i: (i, 0)),
            pl.BlockSpec((_RB2, 1), lambda i: (i, 0)),
            pl.BlockSpec((fin, fout), lambda i: (0, 0)),
            pl.BlockSpec((1, fout), lambda i: (0, 0)),
        ],
        out_specs=[
            pl.BlockSpec((_RB2, fout), lambda i: (i, 0)),
            pl.BlockSpec((_NEL, fout), lambda i: (0, 0)),
            pl.BlockSpec((_NEL, fout), lambda i: (0, 0)),
        ],
        out_shape=[
            jax.ShapeDtypeStruct((_N, fout), _F32),
            jax.ShapeDtypeStruct((_NEL, fout), _F32),
            jax.ShapeDtypeStruct((_NEL, fout), _F32),
        ],
    )(z, s_rows, t_rows, wt, b)



def _affine_body(z_ref, s_ref, t_ref, o_ref):
    o_ref[...] = z_ref[...] * s_ref[...] + t_ref[...]


def _stage_affine(z, s_rows, t_rows):
    f = z.shape[-1]
    grid = _N // _RB2
    return pl.pallas_call(
        _affine_body,
        grid=(grid,),
        in_specs=[
            pl.BlockSpec((_RB2, f), lambda i: (i, 0)),
            pl.BlockSpec((_RB2, 1), lambda i: (i, 0)),
            pl.BlockSpec((_RB2, 1), lambda i: (i, 0)),
        ],
        out_specs=pl.BlockSpec((_RB2, f), lambda i: (i, 0)),
        out_shape=jax.ShapeDtypeStruct((_N, f), _F32),
    )(z, s_rows, t_rows)


def _stage_affine_feat(z, s_feat, t_feat):
    f = z.shape[-1]
    grid = _N // _RB2
    return pl.pallas_call(
        _affine_body,
        grid=(grid,),
        in_specs=[
            pl.BlockSpec((_RB2, f), lambda i: (i, 0)),
            pl.BlockSpec((1, f), lambda i: (0, 0)),
            pl.BlockSpec((1, f), lambda i: (0, 0)),
        ],
        out_specs=pl.BlockSpec((_RB2, f), lambda i: (i, 0)),
        out_shape=jax.ShapeDtypeStruct((_N, f), _F32),
    )(z, s_feat, t_feat)




_XCH = 8
_XRPW = _N // _NW
_NXCH = _XRPW // _XCH


def _pool_body(x_hbm, out_hbm, buf0, buf1, ob0, ob1,
               sem0, sem1, semo0, semo1):
    c = lax.axis_index("c")
    s = lax.axis_index("s")
    wid = s * _NC + c
    row0 = wid * _XRPW
    i5 = lax.iota(jnp.int32, 16) * 5

    def copy_in(ci, buf, sem):
        pltpu.async_copy(x_hbm.at[pl.ds(row0 + ci * _XCH, _XCH)], buf, sem)

    def wait_in(buf, sem):
        pltpu.make_async_copy(x_hbm.at[pl.ds(0, _XCH)], buf, sem).wait()

    def wait_out(ob, semo):
        pltpu.make_async_copy(ob, out_hbm.at[pl.ds(0, _XCH)], semo).wait()

    def compute(buf, ob):
        def row_loop(r, carry):
            rr = jnp.full((16,), r, jnp.int32)

            def grp_loop(j, carry2):
                idx = i5 + j * 80
                acc = plsc.load_gather(buf, [rr, idx])
                for k in range(1, 5):
                    acc = acc + plsc.load_gather(buf, [rr, idx + k])
                ob[r, pl.ds(j * 16, 16)] = acc * 0.2
                return carry2

            lax.fori_loop(0, 50, grp_loop, 0, unroll=2)
            return carry

        lax.fori_loop(0, _XCH, row_loop, 0)

    copy_in(0, buf0, sem0)

    def pair(p, carry):
        ci0 = 2 * p
        copy_in(ci0 + 1, buf1, sem1)
        wait_in(buf0, sem0)

        @pl.when(p > 0)
        def _():
            wait_out(ob0, semo0)

        compute(buf0, ob0)
        pltpu.async_copy(ob0, out_hbm.at[pl.ds(row0 + ci0 * _XCH, _XCH)],
                         semo0)

        @pl.when(ci0 + 2 < _NXCH)
        def _():
            copy_in(ci0 + 2, buf0, sem0)

        wait_in(buf1, sem1)

        @pl.when(p > 0)
        def _():
            wait_out(ob1, semo1)

        compute(buf1, ob1)
        pltpu.async_copy(ob1, out_hbm.at[pl.ds(row0 + (ci0 + 1) * _XCH, _XCH)],
                         semo1)
        return carry

    lax.fori_loop(0, _NXCH // 2, pair, 0)
    wait_out(ob0, semo0)
    wait_out(ob1, semo1)


def _make_pool_sc():
    return pl.kernel(
        _pool_body,
        out_type=jax.ShapeDtypeStruct((_N, 800), _F32),
        mesh=plsc.VectorSubcoreMesh(core_axis_name="c", subcore_axis_name="s",
                                    num_cores=_NC, num_subcores=_NS),
        compiler_params=pltpu.CompilerParams(needs_layout_passes=False,
                                             use_tc_tiling_on_sc=True),
        scratch_types=[
            pltpu.VMEM((_XCH, 4000), _F32),
            pltpu.VMEM((_XCH, 4000), _F32),
            pltpu.VMEM((_XCH, 800), _F32),
            pltpu.VMEM((_XCH, 800), _F32),
            pltpu.SemaphoreType.DMA,
            pltpu.SemaphoreType.DMA,
            pltpu.SemaphoreType.DMA,
            pltpu.SemaphoreType.DMA,
        ],
    )



_CH = 128
_EPW = _E // _NW
_NCHUNK = _EPW // _CH


def _make_conv_sc(f):
    rows_per_sub = _N // _NS

    def body(h_hbm, src_hbm, dst_hbm, zero_hbm, out_hbm,
             srcv, dstv, rows, agg_sh, sem):
        c = lax.axis_index("c")
        s = lax.axis_index("s")
        wid = s * _NC + c

        pltpu.sync_copy(zero_hbm.at[pl.ds(s * rows_per_sub, rows_per_sub)],
                        agg_sh.at[pl.ds(s * rows_per_sub, rows_per_sub)])
        pltpu.sync_copy(src_hbm.at[wid], srcv)
        pltpu.sync_copy(dst_hbm.at[wid], dstv)
        plsc.subcore_barrier()

        def chunk(j, carry):
            pltpu.async_copy(h_hbm.at[srcv.at[j]], rows, sem).wait()
            pltpu.sync_copy(rows, agg_sh.at[dstv.at[j]], add=True)
            return carry

        lax.fori_loop(0, _NCHUNK, chunk, 0)
        plsc.subcore_barrier()
        pltpu.sync_copy(agg_sh.at[pl.ds(s * rows_per_sub, rows_per_sub)],
                        out_hbm.at[c, pl.ds(s * rows_per_sub, rows_per_sub)])

    return pl.kernel(
        body,
        out_type=jax.ShapeDtypeStruct((_NC, _N, f), _F32),
        mesh=plsc.VectorSubcoreMesh(core_axis_name="c", subcore_axis_name="s", num_cores=_NC, num_subcores=_NS),
        compiler_params=pltpu.CompilerParams(use_tc_tiling_on_sc=False),
        scratch_types=[
            pltpu.VMEM((_NCHUNK, _CH), jnp.int32),
            pltpu.VMEM((_NCHUNK, _CH), jnp.int32),
            pltpu.VMEM((_CH, f), _F32),
            pltpu.VMEM_SHARED((_N, f), _F32),
            pltpu.SemaphoreType.DMA,
        ],
    )



def _conv_tc_body(agg_ref, h_ref, wr_ref, br_ref, wt_ref, o_ref, ss_ref, qq_ref):
    agg = agg_ref[0] + agg_ref[1]
    pre = (lax.dot_general(agg, wr_ref[...], (((1,), (0,)), ((), ())),
                           preferred_element_type=_F32, precision=lax.Precision.DEFAULT)
           + lax.dot_general(h_ref[...], wt_ref[...], (((1,), (0,)), ((), ())),
                             preferred_element_type=_F32, precision=lax.Precision.DEFAULT)
           + br_ref[...])
    z = jnp.maximum(pre, 0.0)
    o_ref[...] = z
    ps = jnp.sum(z, axis=0, keepdims=True)
    pq = jnp.sum(z * z, axis=0, keepdims=True)

    @pl.when(pl.program_id(0) == 0)
    def _():
        ss_ref[...] = ps
        qq_ref[...] = pq

    @pl.when(pl.program_id(0) != 0)
    def _():
        ss_ref[...] += ps
        qq_ref[...] += pq


def _stage_conv_tc(aggp, h, wrt, br, wtt):
    fin = h.shape[-1]
    fout = wrt.shape[-1]
    grid = _N // _RB2
    return pl.pallas_call(
        _conv_tc_body,
        grid=(grid,),
        in_specs=[
            pl.BlockSpec((_NC, _RB2, fin), lambda i: (0, i, 0)),
            pl.BlockSpec((_RB2, fin), lambda i: (i, 0)),
            pl.BlockSpec((fin, fout), lambda i: (0, 0)),
            pl.BlockSpec((1, fout), lambda i: (0, 0)),
            pl.BlockSpec((fin, fout), lambda i: (0, 0)),
        ],
        out_specs=[
            pl.BlockSpec((_RB2, fout), lambda i: (i, 0)),
            pl.BlockSpec((1, fout), lambda i: (0, 0)),
            pl.BlockSpec((1, fout), lambda i: (0, 0)),
        ],
        out_shape=[
            jax.ShapeDtypeStruct((_N, fout), _F32),
            jax.ShapeDtypeStruct((1, fout), _F32),
            jax.ShapeDtypeStruct((1, fout), _F32),
        ],
    )(aggp, h, wrt, br, wtt)



_RPW = _N // _NW


def _segmax_body(h_hbm, b_hbm, out_hbm, hv, bv, pool, sem):
    c = lax.axis_index("c")
    s = lax.axis_index("s")
    wid = s * _NC + c

    pltpu.sync_copy(h_hbm.at[wid], hv)
    pltpu.sync_copy(b_hbm.at[wid], bv)

    iota = lax.iota(jnp.int32, 16)

    def init(i, carry):
        plsc.store_scatter(pool, [i * 16 + iota], jnp.full((16,), _NEG, _F32))
        return carry

    lax.fori_loop(0, _B * 32 // 16, init, 0)

    def row(r, carry):
        prev, m0, m1 = carry
        rr = jnp.full((16,), r, jnp.int32)
        bb = plsc.load_gather(bv, [rr])
        f0 = plsc.load_gather(hv, [rr, iota])
        f1 = plsc.load_gather(hv, [rr, iota + 16])
        same = bb == prev
        m0 = jnp.maximum(jnp.where(same, m0, _NEG), f0)
        m1 = jnp.maximum(jnp.where(same, m1, _NEG), f1)
        base = bb * 32 + iota
        plsc.store_scatter(pool, [base], m0)
        plsc.store_scatter(pool, [base + 16], m1)
        return bb, m0, m1

    neg = jnp.full((16,), _NEG, _F32)
    m1_ = jnp.full((16,), -1, jnp.int32)
    lax.fori_loop(0, _RPW, row, (m1_, neg, neg))

    pltpu.sync_copy(pool, out_hbm.at[wid])


def _make_segmax_sc():
    return pl.kernel(
        _segmax_body,
        out_type=jax.ShapeDtypeStruct((_NW, _B * 32), _F32),
        mesh=plsc.VectorSubcoreMesh(core_axis_name="c", subcore_axis_name="s",
                                    num_cores=_NC, num_subcores=_NS),
        compiler_params=pltpu.CompilerParams(use_tc_tiling_on_sc=False,
                                             needs_layout_passes=False),
        scratch_types=[
            pltpu.VMEM((_RPW, 32), _F32),
            pltpu.VMEM((_RPW,), jnp.int32),
            pltpu.VMEM((_B * 32,), _F32),
            pltpu.SemaphoreType.DMA,
        ],
    )



def _head_body(parts_ref, w5_ref, b5_ref, wm_ref, bm_ref, wb_ref, bb_ref,
               wd_ref, bd_ref, o1_ref, o2_ref, o3_ref):
    pooled = jnp.max(parts_ref[...], axis=0)
    z = jnp.maximum(
        lax.dot_general(pooled, w5_ref[...], (((1,), (0,)), ((), ())),
                        preferred_element_type=_F32, precision=lax.Precision.DEFAULT) + b5_ref[...],
        0.0)
    o1_ref[...] = lax.dot_general(z, wm_ref[...], (((1,), (0,)), ((), ())),
                                  preferred_element_type=_F32, precision=lax.Precision.DEFAULT) + bm_ref[...]
    o2_ref[...] = lax.dot_general(z, wb_ref[...], (((1,), (0,)), ((), ())),
                                  preferred_element_type=_F32, precision=lax.Precision.DEFAULT) + bb_ref[...]
    o3_ref[...] = lax.dot_general(z, wd_ref[...], (((1,), (0,)), ((), ())),
                                  preferred_element_type=_F32, precision=lax.Precision.DEFAULT) + bd_ref[...]


def _stage_head(parts, w5t, b5, wmt, bm, wbt, bb, wdt, bd):
    return pl.pallas_call(
        _head_body,
        out_shape=[
            jax.ShapeDtypeStruct((_B, 3), _F32),
            jax.ShapeDtypeStruct((_B, 2), _F32),
            jax.ShapeDtypeStruct((_B, 2), _F32),
        ],
    )(parts, w5t, b5, wmt, bm, wbt, bb, wdt, bd)



def _bnc_affine(ssum, ssq, g, be, fout):
    cnt = _B * fout
    mu = jnp.sum(ssum, axis=1) / cnt
    ex2 = jnp.sum(ssq, axis=1) / cnt
    inv = g * lax.rsqrt(jnp.maximum(ex2 - mu * mu, 0.0) + _EPS)
    s19 = inv
    t19 = be - mu * inv
    s_rows = jnp.tile(s19, _B)[:, None]
    t_rows = jnp.tile(t19, _B)[:, None]
    return s_rows, t_rows


def _bnf_affine(ssum, ssq, g, be):
    mu = ssum[0] / _N
    ex2 = ssq[0] / _N
    inv = g * lax.rsqrt(jnp.maximum(ex2 - mu * mu, 0.0) + _EPS)
    return (inv)[None, :], (be - mu * inv)[None, :]



def kernel(x, edge_index, batch, W2, b2, g3, be3, W3, b3, g4, be4, W4, b4,
           g5, be5, ew1, Wr1, br1, Wt1, g6, be6, ew2, Wr2, br2, Wt2, g7, be7,
           W5, b5, Wm, bm, Wb, bb, Wd, bd):
    src3 = edge_index[0].reshape(_NW, _NCHUNK, _CH)
    dst3 = edge_index[1].reshape(_NW, _NCHUNK, _CH)
    batch2 = batch.reshape(_NW, _RPW)
    zeros64 = jnp.zeros((_N, 64), _F32)
    zeros32 = jnp.zeros((_N, 32), _F32)

    pooled = _make_pool_sc()(x)
    return pooled[:8], pooled[9728:9736]
    z1, s1, q1 = _stage1(pooled, W2.T, b2[None, :])
    sa1, ta1 = _bnc_affine(s1, q1, g3, be3, 256)
    z2, s2, q2 = _stage_mlp(z1, sa1, ta1, W3.T, b3[None, :], 128)
    sa2, ta2 = _bnc_affine(s2, q2, g4, be4, 128)
    z3, s3, q3 = _stage_mlp(z2, sa2, ta2, W4.T, b4[None, :], 64)
    sa3, ta3 = _bnc_affine(s3, q3, g5, be5, 64)
    h = _stage_affine(z3, sa3, ta3)

    agg1 = _make_conv_sc(64)(h, src3, dst3, zeros64)
    pre2, s6, q6 = _stage_conv_tc(agg1, h, Wr1.T, br1[None, :], Wt1.T)
    sa6, ta6 = _bnf_affine(s6, q6, g6, be6)
    h2 = _stage_affine_feat(pre2, sa6, ta6)

    agg2 = _make_conv_sc(32)(h2, src3, dst3, zeros32)
    pre3, s7, q7 = _stage_conv_tc(agg2, h2, Wr2.T, br2[None, :], Wt2.T)
    sa7, ta7 = _bnf_affine(s7, q7, g7, be7)
    h3 = _stage_affine_feat(pre3, sa7, ta7)

    h3w = h3.reshape(_NW, _RPW, 32)
    parts = _make_segmax_sc()(h3w, batch2)
    parts = parts.reshape(_NW, _B, 32)

    o1, o2, o3 = _stage_head(parts, W5.T, b5[None, :], Wm.T, bm[None, :],
                             Wb.T, bb[None, :], Wd.T, bd[None, :])
    return o1, o2, o3

# --- scband reference (transcript-rebuilt; emitter-appended) ---
"""Pipeline reference for scband-gnncwt2-d-mk11-1sec-3-h-83356725281184 (READ-ONLY COPY).

The authoritative reference and input builder live on the scoring server;
editing this copy changes nothing except your own understanding.
"""

import jax, jax.numpy as jnp
import numpy as np

B = 1024
NEL = 19
N = B * NEL
EPG = 60
E = B * EPG
EPS = 1e-5


def _lin(key, out_f, in_f):
    k1, k2 = jax.random.split(key)
    bound = 1.0 / np.sqrt(in_f)
    W = jax.random.uniform(k1, (out_f, in_f), minval=-bound, maxval=bound, dtype=jnp.float32)
    b = jax.random.uniform(k2, (out_f,), minval=-bound, maxval=bound, dtype=jnp.float32)
    return W, b


def setup_inputs(seed: int = 0):
    key = jax.random.key(seed)
    ks = jax.random.split(key, 16)
    inp = {}
    inp["x"] = jax.random.normal(ks[0], (N, 4000), dtype=jnp.float32)
    inp["edge_index"] = jax.random.randint(ks[1], (2, E), 0, N, dtype=jnp.int32)
    bt = jnp.concatenate([jnp.arange(B, dtype=jnp.int32), jax.random.randint(ks[2], (N - B,), 0, B, dtype=jnp.int32)])
    inp["batch"] = jnp.sort(bt)
    inp["W2"], inp["b2"] = _lin(ks[3], 256, 800)
    inp["W3"], inp["b3"] = _lin(ks[4], 128, 256)
    inp["W4"], inp["b4"] = _lin(ks[5], 64, 128)
    inp["Wr1"], inp["br1"] = _lin(ks[6], 32, 64)
    inp["Wt1"], _ = _lin(ks[7], 32, 64)
    inp["Wr2"], inp["br2"] = _lin(ks[8], 32, 32)
    inp["Wt2"], _ = _lin(ks[9], 32, 32)
    inp["W5"], inp["b5"] = _lin(ks[10], 32, 32)
    inp["Wm"], inp["bm"] = _lin(ks[11], 3, 32)
    inp["Wb"], inp["bb"] = _lin(ks[12], 2, 32)
    inp["Wd"], inp["bd"] = _lin(ks[13], 2, 32)
    inp["ew1"] = jnp.ones((EPG,), dtype=jnp.float32)
    inp["ew2"] = jnp.ones((EPG,), dtype=jnp.float32)
    for nm, c in [("g3", NEL), ("g4", NEL), ("g5", NEL), ("g6", 32), ("g7", 32)]:
        inp[nm] = jnp.ones((c,), dtype=jnp.float32)
    for nm, c in [("be3", NEL), ("be4", NEL), ("be5", NEL), ("be6", 32), ("be7", 32)]:
        inp[nm] = jnp.zeros((c,), dtype=jnp.float32)
    return inp


def _bn_c(x, g, b):
    mu = jnp.mean(x, axis=(0, 2), keepdims=True)
    var = jnp.var(x, axis=(0, 2), keepdims=True)
    return g[None, :, None] * (x - mu) / jnp.sqrt(var + EPS) + b[None, :, None]


def _bn_f(x, g, b):
    mu = jnp.mean(x, axis=0, keepdims=True)
    var = jnp.var(x, axis=0, keepdims=True)
    return g * (x - mu) / jnp.sqrt(var + EPS) + b


def _forward(x, W2, b2, g3, be3, W3, b3, g4, be4, W4, b4, g5, be5, ew1, Wr1, br1, Wt1, g6, be6, ew2, Wr2, br2, Wt2, g7, be7, W5, b5, Wm, bm, Wb, bb, Wd, bd, edge_index, batch):
    h = x.reshape(B, NEL, 40, 20, -1).mean(axis=4).reshape(B, NEL, 800)
    h = _bn_c(jax.nn.relu(h @ W2.T + b2), g3, be3)
    h = _bn_c(jax.nn.relu(h @ W3.T + b3), g4, be4)
    h = _bn_c(jax.nn.relu(h @ W4.T + b4), g5, be5)
    h = h.reshape(N, 64)
    src = edge_index[0]
    dst = edge_index[1]
    agg = jax.ops.segment_sum(h[src] * jnp.tile(ew1, B)[:, None], dst, num_segments=N)
    h = _bn_f(jax.nn.relu(agg @ Wr1.T + br1 + h @ Wt1.T), g6, be6)
    agg = jax.ops.segment_sum(h[src] * jnp.tile(ew2, B)[:, None], dst, num_segments=N)
    h = _bn_f(jax.nn.relu(agg @ Wr2.T + br2 + h @ Wt2.T), g7, be7)
    pooled = jax.ops.segment_max(h, batch, num_segments=B)
    z = jax.nn.relu(pooled @ W5.T + b5)
    return (z @ Wm.T + bm, z @ Wb.T + bb, z @ Wd.T + bd)


def reference(x, edge_index, batch, W2, b2, g3, be3, W3, b3, g4, be4, W4, b4, g5, be5, ew1, Wr1, br1, Wt1, g6, be6, ew2, Wr2, br2, Wt2, g7, be7, W5, b5, Wm, bm, Wb, bb, Wd, bd):
    return _forward(x, W2, b2, g3, be3, W3, b3, g4, be4, W4, b4, g5, be5, ew1, Wr1, br1, Wt1, g6, be6, ew2, Wr2, br2, Wt2, g7, be7, W5, b5, Wm, bm, Wb, bb, Wd, bd, edge_index, batch)

if __name__ == "__main__":
    import jax
    _d = setup_inputs()
    print(jax.jit(kernel)(*tuple(_d.values())))

</pallas_src>

<mosaic_0001>
#map = affine_map<(d0, d1) -> (0, 0)>
module attributes {stable_mosaic.version = 14 : i64} {
  func.func @_pool_body(%arg0: i32, %arg1: i32, %arg2: memref<19456x4000xf32, #tpu.memory_space<hbm>>, %arg3: memref<19456x800xf32, #tpu.memory_space<hbm>>, %arg4: memref<8x4000xf32, #tpu.memory_space<vmem>>, %arg5: memref<8x4000xf32, #tpu.memory_space<vmem>>, %arg6: memref<8x800xf32, #tpu.memory_space<vmem>>, %arg7: memref<8x800xf32, #tpu.memory_space<vmem>>, %arg8: memref<!tpu.dma_semaphore, #tpu.memory_space<semaphore_mem>>, %arg9: memref<!tpu.dma_semaphore, #tpu.memory_space<semaphore_mem>>, %arg10: memref<!tpu.dma_semaphore, #tpu.memory_space<semaphore_mem>>, %arg11: memref<!tpu.dma_semaphore, #tpu.memory_space<semaphore_mem>>) attributes {dimension_semantics = [#tpu.dimension_semantics<core_parallel>, #tpu.dimension_semantics<subcore_parallel>], iteration_bounds = array<i64: 2, 16>, scalar_prefetch = 0 : i64, scratch_operands = 8 : i64, tpu.core_type = #tpu.core_type<sc_vector_subcore>, window_params = [{transform_indices = #map}, {transform_indices = #map}]} {
    %mul3A = arith.constant 2 : i32
    %mul3A_0 = arith.muli %arg1, %mul3A : i32
    %add3A = arith.addi %mul3A_0, %arg0 : i32
    %mul3A_1 = arith.constant 608 : i32
    %mul3A_2 = arith.muli %add3A, %mul3A_1 : i32
    %iota3A = tpu.iota {dimensions = array<i32: 0>} : vector<16xi32>
    %mul3A_3 = arith.constant 5 : i32
    %mul3A_4 = vector.broadcast %mul3A_3 : i32 to vector<16xi32>
    %mul3A_5 = arith.muli %iota3A, %mul3A_4 : vector<16xi32>
    %add3A_6 = arith.constant 0 : i32
    %add3A_7 = arith.addi %mul3A_2, %add3A_6 : i32
    %dma_start3A = arith.constant 0 : i32
    %dma_start3A_8 = tpu.memref_slice %arg2[%add3A_7, %dma_start3A] : memref<19456x4000xf32, #tpu.memory_space<hbm>> -> memref<8x4000xf32, #tpu.memory_space<hbm>>
    %dma_start3A_9 = arith.constant 0 : i32
    %dma_start3A_10 = tpu.memref_slice %arg2[%add3A_7, %dma_start3A_9] : memref<19456x4000xf32, #tpu.memory_space<hbm>> -> memref<8x4000xf32, #tpu.memory_space<hbm>>
    tpu.enqueue_dma source(%dma_start3A_10 : memref<8x4000xf32, #tpu.memory_space<hbm>>) target(%arg4 : memref<8x4000xf32, #tpu.memory_space<vmem>>) target_semaphore(%arg8 : memref<!tpu.dma_semaphore, #tpu.memory_space<semaphore_mem>>)
    %scan3A = arith.constant 0 : i32
    %scan3A_11 = arith.constant 0 : i32
    %scan3A_12 = arith.constant 38 : i32
    %scan3A_13 = arith.addi %scan3A_11, %scan3A_12 : i32
    %scan3A_14 = arith.constant 1 : i32
    scf.for %scan3A_27 = %scan3A_11 to %scan3A_13 step %scan3A_14  : i32 {
      %mul3A_28 = arith.constant 2 : i32
      %mul3A_29 = arith.muli %mul3A_28, %scan3A_27 : i32
      %add3A_30 = arith.constant 1 : i32
      %add3A_31 = arith.addi %mul3A_29, %add3A_30 : i32
      %mul3A_32 = arith.constant 8 : i32
      %mul3A_33 = arith.muli %add3A_31, %mul3A_32 : i32
      %add3A_34 = arith.addi %mul3A_2, %mul3A_33 : i32
      %dma_start3A_35 = arith.constant 0 : i32
      %dma_start3A_36 = tpu.memref_slice %arg2[%add3A_34, %dma_start3A_35] : memref<19456x4000xf32, #tpu.memory_space<hbm>> -> memref<8x4000xf32, #tpu.memory_space<hbm>>
      %dma_start3A_37 = arith.constant 0 : i32
      %dma_start3A_38 = tpu.memref_slice %arg2[%add3A_34, %dma_start3A_37] : memref<19456x4000xf32, #tpu.memory_space<hbm>> -> memref<8x4000xf32, #tpu.memory_space<hbm>>
      tpu.enqueue_dma source(%dma_start3A_38 : memref<8x4000xf32, #tpu.memory_space<hbm>>) target(%arg5 : memref<8x4000xf32, #tpu.memory_space<vmem>>) target_semaphore(%arg9 : memref<!tpu.dma_semaphore, #tpu.memory_space<semaphore_mem>>)
      %dma_wait3A_39 = arith.constant 0 : i32
      %dma_wait3A_40 = arith.constant 0 : i32
      %dma_wait3A_41 = tpu.memref_slice %arg2[%dma_wait3A_39, %dma_wait3A_40] : memref<19456x4000xf32, #tpu.memory_space<hbm>> -> memref<8x4000xf32, #tpu.memory_space<hbm>>
      %dma_wait3A_42 = arith.constant 0 : i32
      %dma_wait3A_43 = arith.constant 0 : i32
      %dma_wait3A_44 = tpu.memref_slice %arg2[%dma_wait3A_42, %dma_wait3A_43] : memref<19456x4000xf32, #tpu.memory_space<hbm>> -> memref<8x4000xf32, #tpu.memory_space<hbm>>
      tpu.wait_dma2 semaphore(%arg8 : memref<!tpu.dma_semaphore, #tpu.memory_space<semaphore_mem>>) src(%dma_wait3A_44 : memref<8x4000xf32, #tpu.memory_space<hbm>>) dst(%arg4 : memref<8x4000xf32, #tpu.memory_space<vmem>>)
      %gt3A = arith.constant 0 : i32
      %gt3A_45 = arith.cmpi sgt, %scan3A_27, %gt3A : i32
      %convert_element_type3A = arith.extui %gt3A_45 : i1 to i32
      %cond3A = arith.constant 0 : i32
      %cond3A_46 = arith.cmpi ne, %convert_element_type3A, %cond3A : i32
      scf.if %cond3A_46 {
        %dma_wait3A_92 = arith.constant 0 : i32
        %dma_wait3A_93 = arith.constant 0 : i32
        %dma_wait3A_94 = tpu.memref_slice %arg3[%dma_wait3A_92, %dma_wait3A_93] : memref<19456x800xf32, #tpu.memory_space<hbm>> -> memref<8x800xf32, #tpu.memory_space<hbm>>
        %dma_wait3A_95 = arith.constant 0 : i32
        %dma_wait3A_96 = arith.constant 0 : i32
        %dma_wait3A_97 = tpu.memref_slice %arg3[%dma_wait3A_95, %dma_wait3A_96] : memref<19456x800xf32, #tpu.memory_space<hbm>> -> memref<8x800xf32, #tpu.memory_space<hbm>>
        tpu.wait_dma2 semaphore(%arg10 : memref<!tpu.dma_semaphore, #tpu.memory_space<semaphore_mem>>) src(%arg6 : memref<8x800xf32, #tpu.memory_space<vmem>>) dst(%dma_wait3A_97 : memref<8x800xf32, #tpu.memory_space<hbm>>)
      } else {
      }
      %scan3A_47 = arith.constant 0 : i32
      %scan3A_48 = arith.constant 0 : i32
      %scan3A_49 = arith.constant 8 : i32
      %scan3A_50 = arith.addi %scan3A_48, %scan3A_49 : i32
      %scan3A_51 = arith.constant 1 : i32
      scf.for %scan3A_92 = %scan3A_48 to %scan3A_50 step %scan3A_51  : i32 {
        %broadcast_in_dim3A = vector.broadcast %scan3A_92 : i32 to vector<16xi32>
        %scan3A_93 = arith.constant 0 : i32
        %scan3A_94 = arith.constant 0 : i32
        %scan3A_95 = arith.constant 50 : i32
        %scan3A_96 = arith.addi %scan3A_94, %scan3A_95 : i32
        %scan3A_97 = arith.constant 2 : i32
        scf.for %scan3A_99 = %scan3A_94 to %scan3A_96 step %scan3A_97  : i32 {
          %mul3A_100 = arith.constant 80 : i32
          %mul3A_101 = arith.muli %scan3A_99, %mul3A_100 : i32
          %add3A_102 = vector.broadcast %mul3A_101 : i32 to vector<16xi32>
          %add3A_103 = arith.addi %mul3A_5, %add3A_102 : vector<16xi32>
          %gather3A = tpu.vector_load_idx %arg4[%broadcast_in_dim3A, %add3A_103] : memref<8x4000xf32, #tpu.memory_space<vmem>>[vector<16xi32>, vector<16xi32>], vector<16xf32>,
          %add3A_104 = arith.constant 1 : i32
          %add3A_105 = vector.broadcast %add3A_104 : i32 to vector<16xi32>
          %add3A_106 = arith.addi %add3A_103, %add3A_105 : vector<16xi32>
          %gather3A_107 = tpu.vector_load_idx %arg4[%broadcast_in_dim3A, %add3A_106] : memref<8x4000xf32, #tpu.memory_space<vmem>>[vector<16xi32>, vector<16xi32>], vector<16xf32>,
          %add3A_108 = arith.addf %gather3A, %gather3A_107 : vector<16xf32>
          %add3A_109 = arith.constant 2 : i32
          %add3A_110 = vector.broadcast %add3A_109 : i32 to vector<16xi32>
          %add3A_111 = arith.addi %add3A_103, %add3A_110 : vector<16xi32>
          %gather3A_112 = tpu.vector_load_idx %arg4[%broadcast_in_dim3A, %add3A_111] : memref<8x4000xf32, #tpu.memory_space<vmem>>[vector<16xi32>, vector<16xi32>], vector<16xf32>,
          %add3A_113 = arith.addf %add3A_108, %gather3A_112 : vector<16xf32>
          %add3A_114 = arith.constant 3 : i32
          %add3A_115 = vector.broadcast %add3A_114 : i32 to vector<16xi32>
          %add3A_116 = arith.addi %add3A_103, %add3A_115 : vector<16xi32>
          %gather3A_117 = tpu.vector_load_idx %arg4[%broadcast_in_dim3A, %add3A_116] : memref<8x4000xf32, #tpu.memory_space<vmem>>[vector<16xi32>, vector<16xi32>], vector<16xf32>,
          %add3A_118 = arith.addf %add3A_113, %gather3A_117 : vector<16xf32>
          %add3A_119 = arith.constant 4 : i32
          %add3A_120 = vector.broadcast %add3A_119 : i32 to vector<16xi32>
          %add3A_121 = arith.addi %add3A_103, %add3A_120 : vector<16xi32>
          %gather3A_122 = tpu.vector_load_idx %arg4[%broadcast_in_dim3A, %add3A_121] : memref<8x4000xf32, #tpu.memory_space<vmem>>[vector<16xi32>, vector<16xi32>], vector<16xf32>,
          %add3A_123 = arith.addf %add3A_118, %gather3A_122 : vector<16xf32>
          %mul3A_124 = arith.constant 2.000000e-01 : f32
          %mul3A_125 = vector.broadcast %mul3A_124 : f32 to vector<16xf32>
          %mul3A_126 = arith.mulf %add3A_123, %mul3A_125 : vector<16xf32>
          %mul3A_127 = arith.constant 16 : i32
          %mul3A_128 = arith.muli %scan3A_99, %mul3A_127 : i32
          %swap3A = arith.index_cast %scan3A_92 : i32 to index
          %swap3A_129 = arith.index_cast %mul3A_128 : i32 to index
          %swap3A_130 = tpu.vector_load %arg6[%swap3A, %swap3A_129] {strides = array<i32>} : memref<8x800xf32, #tpu.memory_space<vmem>>, vector<16xf32>,
          tpu.vector_store %arg6[%swap3A, %swap3A_129], %mul3A_126 {strides = array<i32>} : memref<8x800xf32, #tpu.memory_space<vmem>>, vector<16xf32>,
          %scan3A_131 = arith.constant 1 : i32
          %scan3A_132 = arith.addi %scan3A_99, %scan3A_131 : i32
          %mul3A_133 = arith.constant 80 : i32
          %mul3A_134 = arith.muli %scan3A_132, %mul3A_133 : i32
          %add3A_135 = vector.broadcast %mul3A_134 : i32 to vector<16xi32>
          %add3A_136 = arith.addi %mul3A_5, %add3A_135 : vector<16xi32>
          %gather3A_137 = tpu.vector_load_idx %arg4[%broadcast_in_dim3A, %add3A_136] : memref<8x4000xf32, #tpu.memory_space<vmem>>[vector<16xi32>, vector<16xi32>], vector<16xf32>,
          %add3A_138 = arith.constant 1 : i32
          %add3A_139 = vector.broadcast %add3A_138 : i32 to vector<16xi32>
          %add3A_140 = arith.addi %add3A_136, %add3A_139 : vector<16xi32>
          %gather3A_141 = tpu.vector_load_idx %arg4[%broadcast_in_dim3A, %add3A_140] : memref<8x4000xf32, #tpu.memory_space<vmem>>[vector<16xi32>, vector<16xi32>], vector<16xf32>,
          %add3A_142 = arith.addf %gather3A_137, %gather3A_141 : vector<16xf32>
          %add3A_143 = arith.constant 2 : i32
          %add3A_144 = vector.broadcast %add3A_143 : i32 to vector<16xi32>
          %add3A_145 = arith.addi %add3A_136, %add3A_144 : vector<16xi32>
          %gather3A_146 = tpu.vector_load_idx %arg4[%broadcast_in_dim3A, %add3A_145] : memref<8x4000xf32, #tpu.memory_space<vmem>>[vector<16xi32>, vector<16xi32>], vector<16xf32>,
          %add3A_147 = arith.addf %add3A_142, %gather3A_146 : vector<16xf32>
          %add3A_148 = arith.constant 3 : i32
          %add3A_149 = vector.broadcast %add3A_148 : i32 to vector<16xi32>
          %add3A_150 = arith.addi %add3A_136, %add3A_149 : vector<16xi32>
          %gather3A_151 = tpu.vector_load_idx %arg4[%broadcast_in_dim3A, %add3A_150] : memref<8x4000xf32, #tpu.memory_space<vmem>>[vector<16xi32>, vector<16xi32>], vector<16xf32>,
          %add3A_152 = arith.addf %add3A_147, %gather3A_151 : vector<16xf32>
          %add3A_153 = arith.constant 4 : i32
          %add3A_154 = vector.broadcast %add3A_153 : i32 to vector<16xi32>
          %add3A_155 = arith.addi %add3A_136, %add3A_154 : vector<16xi32>
          %gather3A_156 = tpu.vector_load_idx %arg4[%broadcast_in_dim3A, %add3A_155] : memref<8x4000xf32, #tpu.memory_space<vmem>>[vector<16xi32>, vector<16xi32>], vector<16xf32>,
          %add3A_157 = arith.addf %add3A_152, %gather3A_156 : vector<16xf32>
          %mul3A_158 = arith.constant 2.000000e-01 : f32
          %mul3A_159 = vector.broadcast %mul3A_158 : f32 to vector<16xf32>
          %mul3A_160 = arith.mulf %add3A_157, %mul3A_159 : vector<16xf32>
          %mul3A_161 = arith.constant 16 : i32
          %mul3A_162 = arith.muli %scan3A_132, %mul3A_161 : i32
          %swap3A_163 = arith.index_cast %scan3A_92 : i32 to index
          %swap3A_164 = arith.index_cast %mul3A_162 : i32 to index
          %swap3A_165 = tpu.vector_load %arg6[%swap3A_163, %swap3A_164] {strides = array<i32>} : memref<8x800xf32, #tpu.memory_space<vmem>>, vector<16xf32>,
          tpu.vector_store %arg6[%swap3A_163, %swap3A_164], %mul3A_160 {strides = array<i32>} : memref<8x800xf32, #tpu.memory_space<vmem>>, vector<16xf32>,
        }
        %scan3A_98 = arith.constant 50 : i32
      }
      %scan3A_52 = arith.constant 8 : i32
      %mul3A_53 = arith.constant 8 : i32
      %mul3A_54 = arith.muli %mul3A_29, %mul3A_53 : i32
      %add3A_55 = arith.addi %mul3A_2, %mul3A_54 : i32
      %dma_start3A_56 = arith.constant 0 : i32
      %dma_start3A_57 = tpu.memref_slice %arg3[%add3A_55, %dma_start3A_56] : memref<19456x800xf32, #tpu.memory_space<hbm>> -> memref<8x800xf32, #tpu.memory_space<hbm>>
      %dma_start3A_58 = arith.constant 0 : i32
      %dma_start3A_59 = tpu.memref_slice %arg3[%add3A_55, %dma_start3A_58] : memref<19456x800xf32, #tpu.memory_space<hbm>> -> memref<8x800xf32, #tpu.memory_space<hbm>>
      tpu.enqueue_dma source(%arg6 : memref<8x800xf32, #tpu.memory_space<vmem>>) target(%dma_start3A_59 : memref<8x800xf32, #tpu.memory_space<hbm>>) target_semaphore(%arg10 : memref<!tpu.dma_semaphore, #tpu.memory_space<semaphore_mem>>)
      %add3A_60 = arith.constant 2 : i32
      %add3A_61 = arith.addi %mul3A_29, %add3A_60 : i32
      %lt3A = arith.constant 76 : i32
      %lt3A_62 = arith.cmpi slt, %add3A_61, %lt3A : i32
      %convert_element_type3A_63 = arith.extui %lt3A_62 : i1 to i32
      %cond3A_64 = arith.constant 0 : i32
      %cond3A_65 = arith.cmpi ne, %convert_element_type3A_63, %cond3A_64 : i32
      scf.if %cond3A_65 {
        %add3A_92 = arith.constant 2 : i32
        %add3A_93 = arith.addi %mul3A_29, %add3A_92 : i32
        %mul3A_94 = arith.constant 8 : i32
        %mul3A_95 = arith.muli %add3A_93, %mul3A_94 : i32
        %add3A_96 = arith.addi %mul3A_2, %mul3A_95 : i32
        %dma_start3A_97 = arith.constant 0 : i32
        %dma_start3A_98 = tpu.memref_slice %arg2[%add3A_96, %dma_start3A_97] : memref<19456x4000xf32, #tpu.memory_space<hbm>> -> memref<8x4000xf32, #tpu.memory_space<hbm>>
        %dma_start3A_99 = arith.constant 0 : i32
        %dma_start3A_100 = tpu.memref_slice %arg2[%add3A_96, %dma_start3A_99] : memref<19456x4000xf32, #tpu.memory_space<hbm>> -> memref<8x4000xf32, #tpu.memory_space<hbm>>
        tpu.enqueue_dma source(%dma_start3A_100 : memref<8x4000xf32, #tpu.memory_space<hbm>>) target(%arg4 : memref<8x4000xf32, #tpu.memory_space<vmem>>) target_semaphore(%arg8 : memref<!tpu.dma_semaphore, #tpu.memory_space<semaphore_mem>>)
      } else {
      }
      %dma_wait3A_66 = arith.constant 0 : i32
      %dma_wait3A_67 = arith.constant 0 : i32
      %dma_wait3A_68 = tpu.memref_slice %arg2[%dma_wait3A_66, %dma_wait3A_67] : memref<19456x4000xf32, #tpu.memory_space<hbm>> -> memref<8x4000xf32, #tpu.memory_space<hbm>>
      %dma_wait3A_69 = arith.constant 0 : i32
      %dma_wait3A_70 = arith.constant 0 : i32
      %dma_wait3A_71 = tpu.memref_slice %arg2[%dma_wait3A_69, %dma_wait3A_70] : memref<19456x4000xf32, #tpu.memory_space<hbm>> -> memref<8x4000xf32, #tpu.memory_space<hbm>>
      tpu.wait_dma2 semaphore(%arg9 : memref<!tpu.dma_semaphore, #tpu.memory_space<semaphore_mem>>) src(%dma_wait3A_71 : memref<8x4000xf32, #tpu.memory_space<hbm>>) dst(%arg5 : memref<8x4000xf32, #tpu.memory_space<vmem>>)
      %gt3A_72 = arith.constant 0 : i32
      %gt3A_73 = arith.cmpi sgt, %scan3A_27, %gt3A_72 : i32
      %convert_element_type3A_74 = arith.extui %gt3A_73 : i1 to i32
      %cond3A_75 = arith.constant 0 : i32
      %cond3A_76 = arith.cmpi ne, %convert_element_type3A_74, %cond3A_75 : i32
      scf.if %cond3A_76 {
        %dma_wait3A_92 = arith.constant 0 : i32
        %dma_wait3A_93 = arith.constant 0 : i32
        %dma_wait3A_94 = tpu.memref_slice %arg3[%dma_wait3A_92, %dma_wait3A_93] : memref<19456x800xf32, #tpu.memory_space<hbm>> -> memref<8x800xf32, #tpu.memory_space<hbm>>
        %dma_wait3A_95 = arith.constant 0 : i32
        %dma_wait3A_96 = arith.constant 0 : i32
        %dma_wait3A_97 = tpu.memref_slice %arg3[%dma_wait3A_95, %dma_wait3A_96] : memref<19456x800xf32, #tpu.memory_space<hbm>> -> memref<8x800xf32, #tpu.memory_space<hbm>>
        tpu.wait_dma2 semaphore(%arg11 : memref<!tpu.dma_semaphore, #tpu.memory_space<semaphore_mem>>) src(%arg7 : memref<8x800xf32, #tpu.memory_space<vmem>>) dst(%dma_wait3A_97 : memref<8x800xf32, #tpu.memory_space<hbm>>)
      } else {
      }
      %scan3A_77 = arith.constant 0 : i32
      %scan3A_78 = arith.constant 0 : i32
      %scan3A_79 = arith.constant 8 : i32
      %scan3A_80 = arith.addi %scan3A_78, %scan3A_79 : i32
      %scan3A_81 = arith.constant 1 : i32
      scf.for %scan3A_92 = %scan3A_78 to %scan3A_80 step %scan3A_81  : i32 {
        %broadcast_in_dim3A = vector.broadcast %scan3A_92 : i32 to vector<16xi32>
        %scan3A_93 = arith.constant 0 : i32
        %scan3A_94 = arith.constant 0 : i32
        %scan3A_95 = arith.constant 50 : i32
        %scan3A_96 = arith.addi %scan3A_94, %scan3A_95 : i32
        %scan3A_97 = arith.constant 2 : i32
        scf.for %scan3A_99 = %scan3A_94 to %scan3A_96 step %scan3A_97  : i32 {
          %mul3A_100 = arith.constant 80 : i32
          %mul3A_101 = arith.muli %scan3A_99, %mul3A_100 : i32
          %add3A_102 = vector.broadcast %mul3A_101 : i32 to vector<16xi32>
          %add3A_103 = arith.addi %mul3A_5, %add3A_102 : vector<16xi32>
          %gather3A = tpu.vector_load_idx %arg5[%broadcast_in_dim3A, %add3A_103] : memref<8x4000xf32, #tpu.memory_space<vmem>>[vector<16xi32>, vector<16xi32>], vector<16xf32>,
          %add3A_104 = arith.constant 1 : i32
          %add3A_105 = vector.broadcast %add3A_104 : i32 to vector<16xi32>
          %add3A_106 = arith.addi %add3A_103, %add3A_105 : vector<16xi32>
          %gather3A_107 = tpu.vector_load_idx %arg5[%broadcast_in_dim3A, %add3A_106] : memref<8x4000xf32, #tpu.memory_space<vmem>>[vector<16xi32>, vector<16xi32>], vector<16xf32>,
          %add3A_108 = arith.addf %gather3A, %gather3A_107 : vector<16xf32>
          %add3A_109 = arith.constant 2 : i32
          %add3A_110 = vector.broadcast %add3A_109 : i32 to vector<16xi32>
          %add3A_111 = arith.addi %add3A_103, %add3A_110 : vector<16xi32>
          %gather3A_112 = tpu.vector_load_idx %arg5[%broadcast_in_dim3A, %add3A_111] : memref<8x4000xf32, #tpu.memory_space<vmem>>[vector<16xi32>, vector<16xi32>], vector<16xf32>,
          %add3A_113 = arith.addf %add3A_108, %gather3A_112 : vector<16xf32>
          %add3A_114 = arith.constant 3 : i32
          %add3A_115 = vector.broadcast %add3A_114 : i32 to vector<16xi32>
          %add3A_116 = arith.addi %add3A_103, %add3A_115 : vector<16xi32>
          %gather3A_117 = tpu.vector_load_idx %arg5[%broadcast_in_dim3A, %add3A_116] : memref<8x4000xf32, #tpu.memory_space<vmem>>[vector<16xi32>, vector<16xi32>], vector<16xf32>,
          %add3A_118 = arith.addf %add3A_113, %gather3A_117 : vector<16xf32>
          %add3A_119 = arith.constant 4 : i32
          %add3A_120 = vector.broadcast %add3A_119 : i32 to vector<16xi32>
          %add3A_121 = arith.addi %add3A_103, %add3A_120 : vector<16xi32>
          %gather3A_122 = tpu.vector_load_idx %arg5[%broadcast_in_dim3A, %add3A_121] : memref<8x4000xf32, #tpu.memory_space<vmem>>[vector<16xi32>, vector<16xi32>], vector<16xf32>,
          %add3A_123 = arith.addf %add3A_118, %gather3A_122 : vector<16xf32>
          %mul3A_124 = arith.constant 2.000000e-01 : f32
          %mul3A_125 = vector.broadcast %mul3A_124 : f32 to vector<16xf32>
          %mul3A_126 = arith.mulf %add3A_123, %mul3A_125 : vector<16xf32>
          %mul3A_127 = arith.constant 16 : i32
          %mul3A_128 = arith.muli %scan3A_99, %mul3A_127 : i32
          %swap3A = arith.index_cast %scan3A_92 : i32 to index
          %swap3A_129 = arith.index_cast %mul3A_128 : i32 to index
          %swap3A_130 = tpu.vector_load %arg7[%swap3A, %swap3A_129] {strides = array<i32>} : memref<8x800xf32, #tpu.memory_space<vmem>>, vector<16xf32>,
          tpu.vector_store %arg7[%swap3A, %swap3A_129], %mul3A_126 {strides = array<i32>} : memref<8x800xf32, #tpu.memory_space<vmem>>, vector<16xf32>,
          %scan3A_131 = arith.constant 1 : i32
          %scan3A_132 = arith.addi %scan3A_99, %scan3A_131 : i32
          %mul3A_133 = arith.constant 80 : i32
          %mul3A_134 = arith.muli %scan3A_132, %mul3A_133 : i32
          %add3A_135 = vector.broadcast %mul3A_134 : i32 to vector<16xi32>
          %add3A_136 = arith.addi %mul3A_5, %add3A_135 : vector<16xi32>
          %gather3A_137 = tpu.vector_load_idx %arg5[%broadcast_in_dim3A, %add3A_136] : memref<8x4000xf32, #tpu.memory_space<vmem>>[vector<16xi32>, vector<16xi32>], vector<16xf32>,
          %add3A_138 = arith.constant 1 : i32
          %add3A_139 = vector.broadcast %add3A_138 : i32 to vector<16xi32>
          %add3A_140 = arith.addi %add3A_136, %add3A_139 : vector<16xi32>
          %gather3A_141 = tpu.vector_load_idx %arg5[%broadcast_in_dim3A, %add3A_140] : memref<8x4000xf32, #tpu.memory_space<vmem>>[vector<16xi32>, vector<16xi32>], vector<16xf32>,
          %add3A_142 = arith.addf %gather3A_137, %gather3A_141 : vector<16xf32>
          %add3A_143 = arith.constant 2 : i32
          %add3A_144 = vector.broadcast %add3A_143 : i32 to vector<16xi32>
          %add3A_145 = arith.addi %add3A_136, %add3A_144 : vector<16xi32>
          %gather3A_146 = tpu.vector_load_idx %arg5[%broadcast_in_dim3A, %add3A_145] : memref<8x4000xf32, #tpu.memory_space<vmem>>[vector<16xi32>, vector<16xi32>], vector<16xf32>,
          %add3A_147 = arith.addf %add3A_142, %gather3A_146 : vector<16xf32>
          %add3A_148 = arith.constant 3 : i32
          %add3A_149 = vector.broadcast %add3A_148 : i32 to vector<16xi32>
          %add3A_150 = arith.addi %add3A_136, %add3A_149 : vector<16xi32>
          %gather3A_151 = tpu.vector_load_idx %arg5[%broadcast_in_dim3A, %add3A_150] : memref<8x4000xf32, #tpu.memory_space<vmem>>[vector<16xi32>, vector<16xi32>], vector<16xf32>,
          %add3A_152 = arith.addf %add3A_147, %gather3A_151 : vector<16xf32>
          %add3A_153 = arith.constant 4 : i32
          %add3A_154 = vector.broadcast %add3A_153 : i32 to vector<16xi32>
          %add3A_155 = arith.addi %add3A_136, %add3A_154 : vector<16xi32>
          %gather3A_156 = tpu.vector_load_idx %arg5[%broadcast_in_dim3A, %add3A_155] : memref<8x4000xf32, #tpu.memory_space<vmem>>[vector<16xi32>, vector<16xi32>], vector<16xf32>,
          %add3A_157 = arith.addf %add3A_152, %gather3A_156 : vector<16xf32>
          %mul3A_158 = arith.constant 2.000000e-01 : f32
          %mul3A_159 = vector.broadcast %mul3A_158 : f32 to vector<16xf32>
          %mul3A_160 = arith.mulf %add3A_157, %mul3A_159 : vector<16xf32>
          %mul3A_161 = arith.constant 16 : i32
          %mul3A_162 = arith.muli %scan3A_132, %mul3A_161 : i32
          %swap3A_163 = arith.index_cast %scan3A_92 : i32 to index
          %swap3A_164 = arith.index_cast %mul3A_162 : i32 to index
          %swap3A_165 = tpu.vector_load %arg7[%swap3A_163, %swap3A_164] {strides = array<i32>} : memref<8x800xf32, #tpu.memory_space<vmem>>, vector<16xf32>,
          tpu.vector_store %arg7[%swap3A_163, %swap3A_164], %mul3A_160 {strides = array<i32>} : memref<8x800xf32, #tpu.memory_space<vmem>>, vector<16xf32>,
        }
        %scan3A_98 = arith.constant 50 : i32
      }
      %scan3A_82 = arith.constant 8 : i32
      %add3A_83 = arith.constant 1 : i32
      %add3A_84 = arith.addi %mul3A_29, %add3A_83 : i32
      %mul3A_85 = arith.constant 8 : i32
      %mul3A_86 = arith.muli %add3A_84, %mul3A_85 : i32
      %add3A_87 = arith.addi %mul3A_2, %mul3A_86 : i32
      %dma_start3A_88 = arith.constant 0 : i32
      %dma_start3A_89 = tpu.memref_slice %arg3[%add3A_87, %dma_start3A_88] : memref<19456x800xf32, #tpu.memory_space<hbm>> -> memref<8x800xf32, #tpu.memory_space<hbm>>
      %dma_start3A_90 = arith.constant 0 : i32
      %dma_start3A_91 = tpu.memref_slice %arg3[%add3A_87, %dma_start3A_90] : memref<19456x800xf32, #tpu.memory_space<hbm>> -> memref<8x800xf32, #tpu.memory_space<hbm>>
      tpu.enqueue_dma source(%arg7 : memref<8x800xf32, #tpu.memory_space<vmem>>) target(%dma_start3A_91 : memref<8x800xf32, #tpu.memory_space<hbm>>) target_semaphore(%arg11 : memref<!tpu.dma_semaphore, #tpu.memory_space<semaphore_mem>>)
    }
    %scan3A_15 = arith.constant 38 : i32
    %dma_wait3A = arith.constant 0 : i32
    %dma_wait3A_16 = arith.constant 0 : i32
    %dma_wait3A_17 = tpu.memref_slice %arg3[%dma_wait3A, %dma_wait3A_16] : memref<19456x800xf32, #tpu.memory_space<hbm>> -> memref<8x800xf32, #tpu.memory_space<hbm>>
    %dma_wait3A_18 = arith.constant 0 : i32
    %dma_wait3A_19 = arith.constant 0 : i32
    %dma_wait3A_20 = tpu.memref_slice %arg3[%dma_wait3A_18, %dma_wait3A_19] : memref<19456x800xf32, #tpu.memory_space<hbm>> -> memref<8x800xf32, #tpu.memory_space<hbm>>
    tpu.wait_dma2 semaphore(%arg10 : memref<!tpu.dma_semaphore, #tpu.memory_space<semaphore_mem>>) src(%arg6 : memref<8x800xf32, #tpu.memory_space<vmem>>) dst(%dma_wait3A_20 : memref<8x800xf32, #tpu.memory_space<hbm>>)
    %dma_wait3A_21 = arith.constant 0 : i32
    %dma_wait3A_22 = arith.constant 0 : i32
    %dma_wait3A_23 = tpu.memref_slice %arg3[%dma_wait3A_21, %dma_wait3A_22] : memref<19456x800xf32, #tpu.memory_space<hbm>> -> memref<8x800xf32, #tpu.memory_space<hbm>>
    %dma_wait3A_24 = arith.constant 0 : i32
    %dma_wait3A_25 = arith.constant 0 : i32
    %dma_wait3A_26 = tpu.memref_slice %arg3[%dma_wait3A_24, %dma_wait3A_25] : memref<19456x800xf32, #tpu.memory_space<hbm>> -> memref<8x800xf32, #tpu.memory_space<hbm>>
    tpu.wait_dma2 semaphore(%arg11 : memref<!tpu.dma_semaphore, #tpu.memory_space<semaphore_mem>>) src(%arg7 : memref<8x800xf32, #tpu.memory_space<vmem>>) dst(%dma_wait3A_26 : memref<8x800xf32, #tpu.memory_space<hbm>>)
    return
  }
}

</mosaic_0001>

<sc_bundles>
// kernel: kernel.3.cloned.1.call-start
scs
__scs_entry_jumppad:
0x0: {  	(pc) =	sbr.rel $0x88, $3  }
0x1: {  	(tag) =	ssettag $0x0;
	lr =	simm.s32 $0x1  }
0x2: {  	[smem:$0x3FA0] =	sst lr;
	_ =	strace $0xD0000000  }
0x3: {  	_ = 	snop  }
0x4: {  	_ = 	snop  }
0x5: {  	_ = 	snop  }
0x6: {  	_ = 	snop  }
0x7: {  	_ = 	snop  }
__scs_overlays_trampoline_lowered:
0x8: {  	[smem:$0x3FAF] =	sst s0  }
0x9: {  	[smem:$0x3FB0] =	sst s1  }
0xa: {  	[smem:$0x3FB1] =	sst s2  }
0xb: {  	[smem:$0x3FB2] =	sst s3  }
0xc: {  	[smem:$0x3FB3] =	sst s4  }
0xd: {  	[smem:$0x3FB4] =	sst s5  }
0xe: {  	[smem:$0x3FB5] =	sst s6  }
0xf: {  	[smem:$0x3FB6] =	sst s7  }
0x10: {  	[smem:$0x3FB7] =	sst s8  }
0x11: {  	[smem:$0x3FB8] =	sst s9;
	s0 =	simm.s32 @!p0 $0x0  }
0x12: {  	s1 =	sld [smem:$0x3F9E];
	s0 =	simm.s32 @p0 $0x1  }
0x13: {  	[smem:$0x3FB9] =	sst s0;
	s0 =	simm.s32 @!p1 $0x0  }
0x14: {  	s2 =	sld [smem:$0x3F9D];
	s0 =	simm.s32 @p1 $0x1  }
0x15: {  	[smem:$0x3FBA] =	sst s0;
	s0 =	simm.s32 @!p2 $0x0  }
0x16: {  	s3 =	sld [smem:$0x3FDB];
	s0 =	simm.s32 @p2 $0x1  }
0x17: {  	s4 =	simm.s32 $0x1BF5;
	[smem:$0x3FBC] =	sst s0  }
0x18: {  	s0 =	sld [smem:$0x3F9F];
	_ =	swait.ge [sflag:s4], $0x0  }
0x19: {  	s7 =	sld [smem:$0x3FA0]  }
0x1a: {  	s8 =	sadd.s32 $0xFFFFE003, lr  }
0x1b: {  	s9 =	sadd.s32 $0xFFFFFEF7, lr;
	s5 =	simm.s32 $0xFFFFFFFF;
	p2 =	slt.u32 s8, $0xFFFFF086  }
0x1c: {  	p1 =	slt.u32 s9, $0xF7A;
	s5 =	simm.s32 @!p2 $0x0  }
0x1d: {  	s5 =	simm.s32 @p1 $0x1;
	p0 =	seq.s32 s7, s2  }
0x1e: {  	s7 =	smul.u32 @!p0 $0xF7A, s2;
	p2 =	seq.s32 @!p0 s5, $0x0  }
0x1f: {  	s9 =	smul.u32 $0xF7A, s1;
	s8 =	simm.s32 @!p0 $0x1BF5;
	p2 =	por !p2, p0  }
0x20: {  	[sflag:s8] =	ssyncset.s32 @!p0 $0xFFFFF086;
	s6 =	sadd.s32 @!p0 s3, s7;
	s7 =	simm.s32 @!p0 $0x108  }
0x21: {  	s3 =	sadd.s32 s3, s9;
	s6 =	sadd.s32 @!p0 $0x88, s6;
	s7 =	simm.s32 @p2 $0x1082  }
0x22: {  	[simem:s7], [sflag:s8] =	dma.local @!p0 [hbm:s6], $0xF7A  }
0x23: {  	s9 =	sor.u32 $0xD0000000, s2;
	s6 =	simm.s32 $0x108;
	_ =	swait.ge @!p0 [sflag:s8], $0x0  }
0x24: {  	s3 =	sadd.s32 $0x88, s3;
	s6 =	simm.s32 @!p1 $0x1082;
	[sflag:s4] =	ssyncset.s32 $0xFFFFF086  }
0x25: {  	[simem:s6], [sflag:s4] =	dma.local [hbm:s3], $0xF7A  }
0x26: {  	[smem:$0x3FA0] =	sst s1;
	(tag) =	ssettag s2;
	_ =	strace s9  }
0x27: {  	s1 =	sld [smem:$0x3FB0]  }
0x28: {  	s2 =	sld [smem:$0x3FB1]  }
0x29: {  	s4 =	sld [smem:$0x3FB3]  }
0x2a: {  	p0 =	seq.s32 s5, $0x0;
	s5 =	sld [smem:$0x3FB4]  }
0x2b: {  	s6 =	sld [smem:$0x3FB5]  }
0x2c: {  	s7 =	sld [smem:$0x3FB6]  }
0x2d: {  	s3 =	simm.s32 $0x108;
	s8 =	sld [smem:$0x3FB7]  }
0x2e: {  	s3 =	simm.s32 @!p0 $0x1082;
	s9 =	sld [smem:$0x3FB8]  }
0x2f: {  	lr =	sadd.s32 s0, s3;
	s0 =	sld [smem:$0x3FAF]  }
0x30: {  	s3 =	sld [smem:$0x3FB2]  }
0x31: {  	[smem:$0x3FBB] =	sst s10  }
0x32: {  	s10 =	sld [smem:$0x3FB9];
	_ =	sdelay $0x3  }
0x33: {  	p0 =	seq.s32 s10, $0x1;
	s10 =	sld [smem:$0x3FBB];
	_ =	sdelay $0x3  }
0x34: {  	[smem:$0x3FBB] =	sst s10  }
0x35: {  	s10 =	sld [smem:$0x3FBA];
	_ =	sdelay $0x3  }
0x36: {  	p1 =	seq.s32 s10, $0x1;
	s10 =	sld [smem:$0x3FBB];
	_ =	sdelay $0x3  }
0x37: {  	[smem:$0x3FBB] =	sst s10  }
0x38: {  	s10 =	sld [smem:$0x3FBC]  }
0x39: {  	_ = 	snop;
	(pc) =	sbr.ind lr, $3  }
0x3a: {  	_ = 	snop  }
0x3b: {  	_ = 	snop  }
0x3c: {  	p2 =	seq.s32 s10, $0x1;
	s10 =	sld [smem:$0x3FBB]  }
0x3d: {  	_ =	shalt  }
0x3e: {  	_ =	shalt  }
0x3f: {  	_ =	shalt  }
0x40: {  	_ =	shalt  }
0x41: {  	_ =	shalt  }
0x42: {  	_ =	shalt  }
0x43: {  	_ =	shalt  }
0x44: {  	_ =	shalt  }
0x45: {  	_ =	shalt  }
0x46: {  	_ =	shalt  }
0x47: {  	_ =	shalt  }
0x48: {  	_ =	shalt  }
0x49: {  	_ =	shalt  }
0x4a: {  	_ =	shalt  }
0x4b: {  	_ =	shalt  }
0x4c: {  	_ =	shalt  }
0x4d: {  	_ =	shalt  }
0x4e: {  	_ =	shalt  }
0x4f: {  	_ =	shalt  }
0x50: {  	_ =	shalt  }
0x51: {  	_ =	shalt  }
0x52: {  	_ =	shalt  }
0x53: {  	_ =	shalt  }
0x54: {  	_ =	shalt  }
0x55: {  	_ =	shalt  }
0x56: {  	_ =	shalt  }
0x57: {  	_ =	shalt  }
0x58: {  	_ =	shalt  }
0x59: {  	_ =	shalt  }
0x5a: {  	_ =	shalt  }
0x5b: {  	_ =	shalt  }
0x5c: {  	_ =	shalt  }
0x5d: {  	_ =	shalt  }
0x5e: {  	_ =	shalt  }
0x5f: {  	_ =	shalt  }
0x60: {  	_ =	shalt  }
0x61: {  	_ =	shalt  }
0x62: {  	_ =	shalt  }
0x63: {  	_ =	shalt  }
0x64: {  	_ =	shalt  }
0x65: {  	_ =	shalt  }
0x66: {  	_ =	shalt  }
0x67: {  	_ =	shalt  }
0x68: {  	_ =	shalt  }
0x69: {  	_ =	shalt  }
0x6a: {  	_ =	shalt  }
0x6b: {  	_ =	shalt  }
0x6c: {  	_ =	shalt  }
0x6d: {  	_ =	shalt  }
0x6e: {  	_ =	shalt  }
0x6f: {  	_ =	shalt  }
0x70: {  	_ =	shalt  }
0x71: {  	_ =	shalt  }
0x72: {  	_ =	shalt  }
0x73: {  	_ =	shalt  }
0x74: {  	_ =	shalt  }
0x75: {  	_ =	shalt  }
0x76: {  	_ =	shalt  }
0x77: {  	_ =	shalt  }
0x78: {  	_ =	shalt  }
0x79: {  	_ =	shalt  }
0x7a: {  	_ =	shalt  }
0x7b: {  	_ =	shalt  }
0x7c: {  	_ =	shalt  }
0x7d: {  	_ =	shalt  }
0x7e: {  	_ =	shalt  }
0x7f: {  	_ =	shalt  }
0x80: {  	_ =	shalt  }
0x81: {  	_ =	shalt  }
0x82: {  	_ =	shalt  }
0x83: {  	_ =	shalt  }
0x84: {  	_ =	shalt  }
0x85: {  	_ =	shalt  }
0x86: {  	_ =	shalt  }
0x87: {  	_ =	shalt  }
.Lfunc_end0:
.L_simem_size_0:
called_computation_lowered:
.L_overlay_start_0:
0x88: {  	s2 =	sld [smem:$0x3FD9]  }
0x89: {  	s3 =	sld [smem:$0x3FFE];
	_ =	sdelay $0x1  }
0x8a: {  	s1 =	srdreg.scid  }
0x8b: {  	s0 =	sand.u32 $0x1, s1  }
0x8c: {  	s16 =	sshll.u32 s0, $0xA;
	s2 =	sadd.s32 s3, s2  }
0x8d: {  	s2 =	sadd.s32 s2, s16  }
0x8e: {  	[smem:$0x3FC7] =	sst s2  }
0x8f: {  	_ = 	snop  }
0x90: {  	(tm) =	ssettm $0x1  }
0x91: {  	s17 =	sld [smem:$0x3FFB];
	_ =	sdelay $0x3  }
0x92: {  	_ =	strace s17  }
0x93: {  	s2 =	sld [smem:$0x3FFC];
	_ =	sdelay $0x3  }
0x94: {  	_ =	strace s2  }
0x95: {  	s2 =	sld [smem:$0x3FFD];
	_ =	sdelay $0x3  }
0x96: {  	_ =	strace s2  }
0x97: {  	_ =	strace $0x8FFFFFFF  }
0x98: {  	s18 =	sld [smem:$0x3FDB];
	_ =	sdelay $0x1  }
0x99: {  	s19 =	simm.s32 $_scs_section_size  }
0x9a: {  	s4 =	simm.s32 $_size__tile_overlayer_lowered;
	s5 =	simm.s32 $_tile_overlayer_lowered  }
0x9b: {  	s22 =	simm.s32 $0x1BFF;
	s21 =	sshll.u32 s5, $0x1;
	s2 =	sadd.s32 s19, s18  }
0x9c: {  	s6 =	simm.s32 $0x0;
	s20 =	sshll.u32 s4, $0x1;
	s4 =	sadd.s32 s21, s2  }
0x9d: {  	[timem:s6], [sflag:s22] =	dma.local [hbm:s4], s20  }
0x9e: {  	_ =	swait.ge [sflag:s22], s20  }
0x9f: {  	s3 =	ssub.s32 $0x0, s20;
	[sflag:s22] =	ssyncset.done $0x0  }
0xa0: {  	[sflag:s22] =	ssyncadd.s32 s3;
	_ =	sdelay $0x1  }
0xa1: {  	s23 =	simm.s32 $0x1B8B  }
0xa2: {  	_ =	swait.ge [sflag:s23], $0x1  }
0xa3: {  	[sflag:s23] =	ssyncset.done $0x0  }
0xa4: {  	s25 =	simm.s32 $0x1B8E;
	s24 =	sld [smem:$0x3FFE];
	[sflag:s23] =	ssyncadd.s32 $0xFFFFFFFF  }
0xa5: {  	s26 =	simm.s32 $execute0_lowered;
	[smem:$0x3FD2] =	sst s25  }
0xa6: {  	s4 =	sshll.u32 s26, $0x1;
	_ =	strace $0x80000046;
	[dreg:$0x1] =	wrdreg $0xFFFFFFFF  }
0xa7: {  	s28 =	simm.s32 $_size_execute0_lowered;
	s2 =	sadd.s32 s2, s4;
	[dreg:$0x0] =	wrdreg $0x0  }
0xa8: {  	s4 =	sshll.u32 s28, $0x1;
	[dreg:$0x2] =	wrdreg s2  }
0xa9: {  	[dreg:$0x3] =	wrdreg s4  }
0xaa: {  	[dreg:$0x4] =	wrdreg $0xC0  }
0xab: {  	_ =	task [dreg:s6], $0x5FFFF  }
0xac: {  	[dreg:$0x1] =	wrdreg $0xFFFFFFFF  }
0xad: {  	[dreg:$0x0] =	wrdreg $0x60  }
0xae: {  	[dreg:$0x2] =	wrdreg s24  }
0xaf: {  	[dreg:$0x3] =	wrdreg $0x9  }
0xb0: {  	_ =	task.clear_ibuf [dreg:s6], $0x4FFFF;
	_ =	strace $0x90000046  }
0xb1: {  	s29 =	simm.s32 $0x9;
	_ =	strace $0x80000048  }
0xb2: {  	_ =	swait.ge [sflag:s29], $0x1  }
0xb3: {  	[sflag:s29] =	ssyncadd.s32 $0xFFFFFFFF  }
0xb4: {  	_ =	strace $0x90000048  }
0xb5: {  	_ =	sfence  }
0xb6: {  	s30 =	sld [smem:$0x0];
	_ =	sdelay $0x2  }
0xb7: {  	s31 =	sshll.u32 s1, $0xD;
	s1 =	sshrl.u32 s1, $0x2  }
0xb8: {  	s3 =	sand.u32 $0x4000, s31;
	s1 =	sadd.s32 s1, s30  }
0xb9: {  	s0 =	sor.u32 s3, s0;
	s1 =	sshll.u32 s1, $0x11  }
0xba: {  	s0 =	sor.u32 s1, s0  }
0xbb: {  	s0 =	sadd.s32 $0x8F2B, s0  }
0xbc: {  	[sflag:s0] =	ssyncadd.remote.s32 $0x1  }
0xbd: {  	_ =	sfence.sel $0xFFFF  }
0xbe: {  	[dreg:$0x0] =	wrdreg $0xFFFFFFFF;
	(pc) =	sbr.abs _section_cstart, $3  }
0xbf: {  	[dreg:$0x1] =	wrdreg $0xFFFFFFFF  }
0xc0: {  	_ =	task.clear_ibuf [dreg:s6], $0x2FFFF;
	_ =	strace $0x9FFFFFFF  }
0xc1: {  	(tm) =	ssettm $0x7FFFFFFF  }
tec
execute0_lowered:
.L_overlay_start_1:
0x0: {  	(tag) =	ssettag $0x1  }
0x1: {  	s4 =	rddreg [dreg:$0x0]  }
0x2: {  	s0 =	rddreg [dreg:$0x1]  }
0x3: {  	s3 =	srdreg.scid;
	s1 =	stileid.u32  }
0x4: {  	s2 =	simm.s32 $0x0;
	s9 =	simm.s32 $0x8000;
	s10 =	simm.s32 $0x1  }
0x5: {  	s11 =	simm.s32 $0x10000;
	s12 =	simm.s32 $0x2;
	s13 =	simm.s32 $0x4  }
0x6: {  	s14 =	simm.s32 $0x11C00;
	s3 =	sand.u32 $0x1, s3;
	s5 =	sshll.u32 s1, $0x1  }
0x7: {  	v0 =	vlaneseq.u32;
	s15 =	simm.s32 $0x3;
	s16 =	simm.s32 $0x0;
	s5 =	sor.u32 s3, s5  }
0x8: {  	[smem:$0x7FF] =	sst s2;
	v0 =	vmul.u32 $0x5, v0;
	s6 =	ssub.s32 $0x2, s3;
	s8 =	smul.u32 $0x4C000, s5  }
0x9: {  	_ =	strace $0x80000047;
	s3 =	sadd.s32 $0x600, s4;
	s7 =	sshrl.u32 s6, $0x1  }
0xa: {  	s4 =	sadd.s32 $0x980600, s4;
	v1 =	vadd.s32 $0x1, v0;
	s7 =	ssub.s32 s6, s7;
	s6 =	sadd.s32 s3, s8  }
0xb: {  	s5 =	smul.u32 $0x260, s5;
	v2 =	vadd.s32 $0x2, v0;
	v3 =	vadd.s32 $0x3, v0;
	v4 =	vadd.s32 $0x4, v0;
	s7 =	smax.u32 s7, $0x1;
	s8 =	sadd.s32 $0x2000, s6  }
.LBB2_1:
0xc: {  	[tilespmem:s2], [sflag:$0x1] =	stream.linear.gather [hbm4b:s6+s2], $0x8000, $0x38;
	[tilespmem:$0x13800] =	vst v63  }
0xd: {  	s17 =	simm.s32 $0x0  }
.LBB2_2:
0xe: {  	s19 =	sshll.u32 s17, $0x4  }
0xf: {  	s18 =	sadd.s32 s19, s5  }
0x10: {  	s18 =	sadd.s32 $0x8, s18  }
0x11: {  	s20 =	sshll.u32 s18, $0x9  }
0x12: {  	s20 =	sadd.s32 s3, s20  }
0x13: {  	[tilespmem:s9], [sflag:$0x2] =	stream.linear.gather [hbm4b:s20+s2], $0x8000, $0x38;
	[tilespmem:$0x13800] =	vst v63  }
0x14: {  	_ =	swait.ge [sflag:s10], $0x8000  }
0x15: {  	p0 =	seq.s32 s17, $0x0;
	[sflag:s10] =	ssyncset.done $0x0  }
0x16: {  	s20 =	simm.s32 @!p0 $0x3;
	[sflag:s10] =	ssyncadd.s32 $0xFFFF8000  }
0x17: {  	_ =	swait.ge @!p0 [sflag:s20], $0x1C00  }
0x18: {  	s21 =	simm.s32 $0x0;
	[sflag:s20] =	ssyncset.done @!p0 $0x0  }
0x19: {  	s18 =	sshrl.u32 s18, $0x3;
	[sflag:s20] =	ssyncadd.s32 @!p0 $0xFFFFE400;
	s20 =	simm.s32 $0x0  }
.LBB2_3:
0x1a: {  	v5 =	vmov s21;
	s22 =	simm.s32 $0x0  }
0x1b: {  	v5 =	vshll.u32 v5, $0x7;
	v6 =	vadd.s32 s22, v0  }
0x1c: {  	v7 =	vadd.s32 s22, v1;
	v8 =	vadd.s32 s22, v2;
	v11 =	vadd.s32 s22, v3  }
0x1d: {  	v5 =	vand.u32 $0x380, v5;
	v9 =	vshll.u32 v6, $0x3;
	v10 =	vshll.u32 v7, $0x3  }
0x1e: {  	v6 =	vand.u32 $0x7F, v6;
	v5 =	vbroadcast v5, $0x0;
	v9 =	vand.u32 $0x1FC00, v9  }
0x1f: {  	v7 =	vand.u32 $0x7F, v7;
	v10 =	vand.u32 $0x1FC00, v10;
	v6 =	vor.u32 v9, v6  }
0x20: {  	v7 =	vor.u32 v10, v7;
	v9 =	vshll.u32 v8, $0x3;
	v6 =	vor.u32 v5, v6  }
0x21: {  	v8 =	vand.u32 $0x7F, v8;
	v7 =	vor.u32 v5, v7;
	v9 =	vand.u32 $0x1FC00, v9  }
0x22: {  	v10 =	vand.u32 $0x7F, v11;
	v11 =	vshll.u32 v11, $0x3;
	v8 =	vor.u32 v9, v8  }
0x23: {  	v9 =	vand.u32 $0x1FC00, v11;
	v11 =	vadd.s32 s22, v4;
	v8 =	vor.u32 v5, v8  }
0x24: {  	v9 =	vor.u32 v9, v10;
	v10 =	vshll.u32 v11, $0x3  }
0x25: {  	v11 =	vand.u32 $0x7F, v11;
	v9 =	vor.u32 v5, v9;
	v10 =	vand.u32 $0x1FC00, v10;
	v6 =	vld.idx.msk [tilespmem:v6+s2+$0x0], $0xffff  }
0x26: {  	v10 =	vor.u32 v10, v11;
	v7 =	vld.idx.msk [tilespmem:v7+s2+$0x0], $0xffff  }
0x27: {  	v10 =	vor.u32 v5, v10  }
0x28: {  	v8 =	vld.idx.msk [tilespmem:v8+s2+$0x0], $0xffff;
	_ =	sdelay $0x1  }
0x29: {  	v9 =	vld.idx.msk [tilespmem:v9+s2+$0x0], $0xffff  }
0x2a: {  	s23 =	simm.s32 $0x50;
	v7 =	vadd.f32 v7, v6  }
0x2b: {  	v12 =	vadd.s32 s23, v2;
	v11 =	vadd.s32 s23, v1;
	v10 =	vld.idx.msk [tilespmem:v10+s2+$0x0], $0xffff  }
0x2c: {  	v13 =	vshll.u32 v11, $0x3;
	v7 =	vadd.f32 v8, v7;
	v8 =	vadd.s32 s23, v0  }
0x2d: {  	v11 =	vand.u32 $0x7F, v11;
	v14 =	vand.u32 $0x7F, v8;
	v8 =	vshll.u32 v8, $0x3  }
0x2e: {  	s30 =	sshll.u32 s21, $0x7;
	v13 =	vand.u32 $0x7FFFFC00, v13;
	v7 =	vadd.f32 v9, v7;
	v8 =	vand.u32 $0x7FFFFC00, v8  }
0x2f: {  	v6 =	vmov s30;
	v9 =	vshll.u32 v12, $0x3;
	v8 =	vor.u32 v8, v14  }
0x30: {  	v9 =	vand.u32 $0x7FFFFC00, v9;
	v7 =	vadd.f32 v10, v7;
	v8 =	vor.u32 v5, v8  }
0x31: {  	s31 =	simm.s32 $0x0;
	s24 =	sand.u32 $0x1C00, s20;
	v10 =	vor.u32 v13, v11;
	v11 =	vand.u32 $0x7F, v12;
	v12 =	vadd.s32 s23, v3  }
0x32: {  	s28 =	sor.u32 $0x10000, s24;
	s22 =	sand.u32 $0x60, s31;
	v10 =	vor.u32 v5, v10;
	v9 =	vor.u32 v9, v11;
	v7 =	vmul.f32 $2.000000030e-01, v7  }
0x33: {  	s22 =	sor.u32 s22, s28;
	v11 =	vadd.s32 s23, v4;
	v13 =	vshll.u32 v12, $0x3;
	v12 =	vand.u32 $0x7F, v12  }
0x34: {  	v9 =	vor.u32 v5, v9;
	v13 =	vand.u32 $0x7FFFFC00, v13;
	[tilespmem:v6+s22+$0x0 ss:$0x1] =	vst.idx.msk $0xffff, v7;
	v7 =	vshll.u32 v11, $0x3  }
0x35: {  	v12 =	vor.u32 v13, v12;
	v11 =	vand.u32 $0x7F, v11;
	v7 =	vand.u32 $0x7FFFFC00, v7  }
0x36: {  	v8 =	vld.idx.msk [tilespmem:v8+s2+$0x0], $0xffff;
	v7 =	vor.u32 v7, v11;
	v11 =	vor.u32 v5, v12  }
0x37: {  	v13 =	vld.idx.msk [tilespmem:v10+s2+$0x0], $0xffff  }
0x38: {  	s29 =	simm.s32 $0xA0;
	v14 =	vor.u32 v5, v7  }
0x39: {  	v12 =	vadd.s32 s29, v1;
	v10 =	vadd.s32 s29, v3;
	v16 =	vld.idx.msk [tilespmem:v9+s2+$0x0], $0xffff;
	v7 =	vadd.s32 s29, v0  }
0x3a: {  	v9 =	vadd.s32 s29, v2;
	v17 =	vshll.u32 v12, $0x3;
	v15 =	vshll.u32 v7, $0x3  }
0x3b: {  	v12 =	vand.u32 $0x7F, v12;
	v7 =	vand.u32 $0x7F, v7;
	v15 =	vand.u32 $0x1FC00, v15;
	v11 =	vld.idx.msk [tilespmem:v11+s2+$0x0], $0xffff  }
0x3c: {  	v17 =	vand.u32 $0x1FC00, v17;
	v7 =	vor.u32 v15, v7;
	v18 =	vadd.f32 v13, v8  }
0x3d: {  	s25 =	simm.s32 $0x2;
	s26 =	simm.s32 $0x10;
	v15 =	vshll.u32 v9, $0x3;
	v7 =	vor.u32 v5, v7;
	v8 =	vor.u32 v17, v12;
	v13 =	vld.idx.msk [tilespmem:v14+s2+$0x0], $0xffff  }
0x3e: {  	s24 =	simm.s32 $0x0;
	s23 =	simm.s32 $0x10;
	s22 =	simm.s32 $0xF0;
	v12 =	vand.u32 $0x7F, v10;
	v8 =	vor.u32 v5, v8;
	v14 =	vadd.f32 v16, v18  }
.LBB2_4:
0x3f: {  	s25 =	sadd.s32 $0x2, s25;
	v9 =	vand.u32 $0x7F, v9;
	v15 =	vand.u32 $0x1FC00, v15;
	v10 =	vshll.u32 v10, $0x3;
	s23 =	sadd.s32 $0x20, s23;
	s24 =	sadd.s32 $0x100, s24  }
0x40: {  	p1 =	slt.u32 s25, $0x30;
	v9 =	vor.u32 v15, v9;
	v10 =	vand.u32 $0x1FC00, v10;
	v11 =	vadd.f32 v11, v14  }
0x41: {  	v9 =	vor.u32 v5, v9;
	v10 =	vor.u32 v10, v12;
	v12 =	vadd.s32 s29, v4  }
0x42: {  	v14 =	vshll.u32 v12, $0x3;
	v11 =	vadd.f32 v13, v11  }
0x43: {  	v10 =	vor.u32 v5, v10;
	v12 =	vand.u32 $0x7F, v12;
	v13 =	vand.u32 $0x1FC00, v14  }
0x44: {  	s29 =	sand.u32 $0x70, s26;
	s26 =	smov.u32 s23;
	v12 =	vor.u32 v13, v12;
	v11 =	vmul.f32 $2.000000030e-01, v11  }
0x45: {  	s28 =	sor.u32 s29, s28  }
0x46: {  	[tilespmem:v6+s28+$0x0 ss:$0x1] =	vst.idx.msk $0xffff, v11  }
0x47: {  	v7 =	vld.idx.msk [tilespmem:v7+s2+$0x0], $0xffff  }
0x48: {  	v8 =	vld.idx.msk [tilespmem:v8+s2+$0x0], $0xffff  }
0x49: {  	v11 =	vor.u32 v5, v12  }
0x4a: {  	v9 =	vld.idx.msk [tilespmem:v9+s2+$0x0], $0xffff;
	_ =	sdelay $0x1  }
0x4b: {  	v10 =	vld.idx.msk [tilespmem:v10+s2+$0x0], $0xffff;
	_ =	sdelay $0x1  }
0x4c: {  	v7 =	vadd.f32 v8, v7;
	v8 =	vld.idx.msk [tilespmem:v11+s2+$0x0], $0xffff  }
0x4d: {  	v13 =	vadd.s32 s22, v4;
	v12 =	vadd.s32 s22, v2;
	v11 =	vadd.s32 s22, v1  }
0x4e: {  	v7 =	vadd.f32 v9, v7;
	v9 =	vadd.s32 s22, v0;
	v14 =	vshll.u32 v11, $0x3  }
0x4f: {  	v16 =	vand.u32 $0x7F, v12;
	v15 =	vand.u32 $0x7F, v9;
	v9 =	vshll.u32 v9, $0x3  }
0x50: {  	v7 =	vadd.f32 v10, v7;
	v9 =	vand.u32 $0x7FFFFC00, v9;
	v10 =	vshll.u32 v12, $0x3  }
0x51: {  	v11 =	vand.u32 $0x7F, v11;
	v12 =	vand.u32 $0x7FFFFC00, v14;
	v9 =	vor.u32 v9, v15  }
0x52: {  	v7 =	vadd.f32 v8, v7;
	v8 =	vor.u32 v5, v9;
	v9 =	vor.u32 v12, v11  }
0x53: {  	s29 =	sand.u32 $0x1C00, s24;
	s28 =	sadd.s32 $0xFFFFFFF0, s23;
	v10 =	vand.u32 $0x7FFFFC00, v10;
	v11 =	vadd.s32 s22, v3;
	v9 =	vor.u32 v5, v9  }
0x54: {  	s30 =	sand.u32 $0x60, s28;
	s28 =	sor.u32 $0x10000, s29;
	v10 =	vor.u32 v10, v16;
	v12 =	vshll.u32 v11, $0x3;
	v7 =	vmul.f32 $2.000000030e-01, v7  }
0x55: {  	s29 =	sor.u32 s30, s28;
	v10 =	vor.u32 v5, v10;
	v11 =	vand.u32 $0x7F, v11;
	v12 =	vand.u32 $0x7FFFFC00, v12  }
0x56: {  	[tilespmem:v6+s29+$0x0 ss:$0x1] =	vst.idx.msk $0xffff, v7;
	v7 =	vor.u32 v12, v11;
	v11 =	vshll.u32 v13, $0x3  }
0x57: {  	v12 =	vand.u32 $0x7F, v13;
	v8 =	vld.idx.msk [tilespmem:v8+s2+$0x0], $0xffff;
	v7 =	vor.u32 v5, v7;
	v11 =	vand.u32 $0x7FFFFC00, v11  }
0x58: {  	v13 =	vld.idx.msk [tilespmem:v9+s2+$0x0], $0xffff;
	v9 =	vor.u32 v11, v12  }
0x59: {  	s22 =	sadd.s32 $0xA0, s22;
	v12 =	vor.u32 v5, v9  }
0x5a: {  	s29 =	sadd.s32 $0xFFFFFFB0, s22;
	v14 =	vld.idx.msk [tilespmem:v10+s2+$0x0], $0xffff  }
0x5b: {  	v15 =	vadd.s32 s29, v0;
	v16 =	vadd.s32 s29, v1;
	v9 =	vadd.s32 s29, v2  }
.Ltmp0:
0x5c: {  	v17 =	vshll.u32 v15, $0x3;
	v18 =	vshll.u32 v16, $0x3;
	v10 =	vadd.s32 s29, v3;
	v11 =	vld.idx.msk [tilespmem:v7+s2+$0x0], $0xffff;
	(pc) =	sbr.rel @p1 .LBB2_4-.Ltmp0, $4  }
0x5d: {  	v7 =	vand.u32 $0x7F, v15;
	v15 =	vand.u32 $0x1FC00, v17;
	v17 =	vand.u32 $0x1FC00, v18  }
0x5e: {  	v7 =	vor.u32 v15, v7;
	v15 =	vand.u32 $0x7F, v16;
	v16 =	vadd.f32 v13, v8;
	v13 =	vld.idx.msk [tilespmem:v12+s2+$0x0], $0xffff  }
0x5f: {  	v7 =	vor.u32 v5, v7;
	v8 =	vor.u32 v17, v15;
	v12 =	vand.u32 $0x7F, v10  }
0x60: {  	v15 =	vshll.u32 v9, $0x3;
	v8 =	vor.u32 v5, v8;
	v14 =	vadd.f32 v14, v16  }
0x61: {  	_ = 	snop  }
0x62: {  	v11 =	vadd.f32 v11, v14;
	_ =	sdelay $0x1  }
0x63: {  	v11 =	vadd.f32 v13, v11  }
0x64: {  	v9 =	vand.u32 $0x7F, v9;
	v45 =	vand.u32 $0x1FC00, v15  }
0x65: {  	v10 =	vshll.u32 v10, $0x3;
	s25 =	sand.u32 $0x70, s26;
	v9 =	vor.u32 v45, v9;
	v11 =	vmul.f32 $2.000000030e-01, v11  }
0x66: {  	v46 =	vadd.s32 s29, v4;
	v10 =	vand.u32 $0x1FC00, v10;
	s25 =	sor.u32 s25, s28;
	v9 =	vor.u32 v5, v9  }
0x67: {  	v47 =	vshll.u32 v46, $0x3;
	v10 =	vor.u32 v10, v12;
	[tilespmem:v6+s25+$0x0 ss:$0x1] =	vst.idx.msk $0xffff, v11  }
0x68: {  	v48 =	vand.u32 $0x7F, v46;
	v12 =	vand.u32 $0x1FC00, v47;
	v10 =	vor.u32 v5, v10;
	v7 =	vld.idx.msk [tilespmem:v7+s2+$0x0], $0xffff  }
0x69: {  	v11 =	vor.u32 v12, v48;
	v8 =	vld.idx.msk [tilespmem:v8+s2+$0x0], $0xffff  }
0x6a: {  	v11 =	vor.u32 v5, v11  }
0x6b: {  	v9 =	vld.idx.msk [tilespmem:v9+s2+$0x0], $0xffff;
	_ =	sdelay $0x1  }
0x6c: {  	v10 =	vld.idx.msk [tilespmem:v10+s2+$0x0], $0xffff  }
0x6d: {  	v7 =	vadd.f32 v8, v7  }
0x6e: {  	v50 =	vadd.s32 s22, v1;
	v51 =	vadd.s32 s22, v2;
	v52 =	vadd.s32 s22, v4;
	v49 =	vld.idx.msk [tilespmem:v11+s2+$0x0], $0xffff  }
0x6f: {  	v53 =	vadd.s32 s22, v0;
	v60 =	vadd.s32 s22, v3;
	v7 =	vadd.f32 v9, v7  }
0x70: {  	v54 =	vshll.u32 v50, $0x3;
	v55 =	vand.u32 $0x7F, v53;
	v9 =	vshll.u32 v53, $0x3  }
0x71: {  	v56 =	vshll.u32 v51, $0x3;
	v9 =	vand.u32 $0x7FFFFC00, v9;
	v7 =	vadd.f32 v10, v7  }
0x72: {  	v57 =	vand.u32 $0x7FFFFC00, v54;
	v11 =	vand.u32 $0x7F, v50;
	v9 =	vor.u32 v9, v55  }
0x73: {  	s23 =	sadd.s32 $0x20, s23;
	s24 =	sadd.s32 $0x100, s24;
	v59 =	vor.u32 v57, v11;
	v58 =	vor.u32 v5, v9;
	v7 =	vadd.f32 v49, v7  }
0x74: {  	v16 =	vand.u32 $0x7F, v51;
	s29 =	sadd.s32 $0xFFFFFFF0, s23;
	s24 =	sand.u32 $0x1C00, s24;
	v10 =	vand.u32 $0x7FFFFC00, v56;
	v9 =	vor.u32 v5, v59  }
0x75: {  	v61 =	vshll.u32 v60, $0x3;
	s30 =	sand.u32 $0x60, s29;
	s24 =	sor.u32 $0x10000, s24;
	v10 =	vor.u32 v10, v16;
	v7 =	vmul.f32 $2.000000030e-01, v7  }
0x76: {  	s22 =	sor.u32 s30, s24;
	v12 =	vand.u32 $0x7FFFFC00, v61;
	v11 =	vand.u32 $0x7F, v60;
	v10 =	vor.u32 v5, v10  }
0x77: {  	v62 =	vshll.u32 v52, $0x3;
	[tilespmem:v6+s22+$0x0 ss:$0x1] =	vst.idx.msk $0xffff, v7;
	v7 =	vor.u32 v12, v11  }
0x78: {  	v63 =	vand.u32 $0x7F, v52;
	v11 =	vand.u32 $0x7FFFFC00, v62;
	v8 =	vld.idx.msk [tilespmem:v58+s2+$0x0], $0xffff;
	v7 =	vor.u32 v5, v7  }
0x79: {  	v9 =	vld.idx.msk [tilespmem:v9+s2+$0x0], $0xffff;
	v11 =	vor.u32 v11, v63  }
0x7a: {  	v5 =	vor.u32 v5, v11  }
0x7b: {  	v10 =	vld.idx.msk [tilespmem:v10+s2+$0x0], $0xffff;
	_ =	sdelay $0x1  }
0x7c: {  	v7 =	vld.idx.msk [tilespmem:v7+s2+$0x0], $0xffff  }
0x7d: {  	v8 =	vadd.f32 v9, v8  }
0x7e: {  	v5 =	vld.idx.msk [tilespmem:v5+s2+$0x0], $0xffff  }
0x7f: {  	v8 =	vadd.f32 v10, v8;
	_ =	sdelay $0x1  }
0x80: {  	s21 =	sadd.s32 $0x1, s21;
	v7 =	vadd.f32 v7, v8  }
0x81: {  	p1 =	sne.s32 s21, $0x8  }
.Ltmp1:
0x82: {  	v5 =	vadd.f32 v5, v7;
	(pc) =	sbr.rel @p1 .LBB2_3-.Ltmp1, $4  }
0x83: {  	_ = 	snop  }
0x84: {  	s31 =	sand.u32 $0x70, s23;
	v5 =	vmul.f32 $2.000000030e-01, v5  }
0x85: {  	s22 =	sor.u32 s31, s24  }
0x86: {  	[tilespmem:v6+s22+$0x0 ss:$0x1] =	vst.idx.msk $0xffff, v5  }
0x87: {  	s19 =	sadd.s32 s5, s19;
	p1 =	sne.s32 s17, $0x25  }
.Ltmp2:
0x88: {  	s19 =	sshrl.u32 s19, $0x3;
	(pc) =	sbr.rel @p1 .LBB2_8-.Ltmp2, $3  }
0x89: {  	s19 =	smul.u32 $0x380, s19;
	_ =	sdelay $0x1  }
0x8a: {  	s19 =	sadd.s32 s4, s19  }
0x8b: {  	[hbm4b:s19+s2] =	stream.linear.scatter [tilespmem:s11], [sflag:$0x3], $0x1C00, $0x38;
	[tilespmem:$0x13800] =	vst v63  }
.Ltmp3:
0x8c: {  	(pc) =	sbr.rel .LBB2_9-.Ltmp3, $4  }
0x8d: {  	_ = 	snop  }
0x8e: {  	_ =	swait.ge [sflag:s12], $0x8000  }
0x8f: {  	[sflag:s12] =	ssyncset.done $0x0  }
0x90: {  	[sflag:s12] =	ssyncadd.s32 $0xFFFF8000  }
.LBB2_8:
0x91: {  	s19 =	sshll.u32 s17, $0xD  }
.Ltmp4:
0x92: {  	s19 =	sadd.s32 s8, s19;
	(pc) =	sbr.rel @p0 .LBB2_10-.Ltmp4, $4  }
0x93: {  	[tilespmem:s2], [sflag:$0x1] =	stream.linear.gather [hbm4b:s19+s2], $0x8000, $0x38;
	[tilespmem:$0x13800] =	vst v63  }
0x94: {  	_ =	swait.ge [sflag:s12], $0x8000  }
0x95: {  	[sflag:s12] =	ssyncset.done $0x0  }
0x96: {  	[sflag:s12] =	ssyncadd.s32 $0xFFFF8000  }
.LBB2_9:
0x97: {  	_ =	swait.ge [sflag:s13], $0x1C00  }
0x98: {  	[sflag:s13] =	ssyncset.done $0x0  }
0x99: {  	[sflag:s13] =	ssyncadd.s32 $0xFFFFE400  }
.LBB2_10:
0x9a: {  	s19 =	simm.s32 $0x0;
	s20 =	simm.s32 $0x0  }
.LBB2_11:
0x9b: {  	v5 =	vmov s20;
	s21 =	simm.s32 $0x0  }
0x9c: {  	v5 =	vshll.u32 v5, $0x7;
	v6 =	vadd.s32 s21, v0  }
0x9d: {  	v7 =	vadd.s32 s21, v1;
	v8 =	vadd.s32 s21, v2;
	v11 =	vadd.s32 s21, v3  }
0x9e: {  	v5 =	vand.u32 $0x380, v5;
	v9 =	vshll.u32 v6, $0x3;
	v10 =	vshll.u32 v7, $0x3  }
0x9f: {  	v6 =	vand.u32 $0x7F, v6;
	v5 =	vbroadcast v5, $0x0;
	v9 =	vand.u32 $0x1FC00, v9  }
0xa0: {  	v7 =	vand.u32 $0x7F, v7;
	v10 =	vand.u32 $0x1FC00, v10;
	v6 =	vor.u32 v9, v6  }
0xa1: {  	v7 =	vor.u32 v10, v7;
	v9 =	vshll.u32 v8, $0x3;
	v6 =	vor.u32 v5, v6  }
0xa2: {  	v8 =	vand.u32 $0x7F, v8;
	v7 =	vor.u32 v5, v7;
	v9 =	vand.u32 $0x1FC00, v9  }
0xa3: {  	v10 =	vand.u32 $0x7F, v11;
	v11 =	vshll.u32 v11, $0x3;
	v8 =	vor.u32 v9, v8  }
0xa4: {  	v9 =	vand.u32 $0x1FC00, v11;
	v11 =	vadd.s32 s21, v4;
	v8 =	vor.u32 v5, v8  }
0xa5: {  	v9 =	vor.u32 v9, v10;
	v10 =	vshll.u32 v11, $0x3  }
0xa6: {  	v11 =	vand.u32 $0x7F, v11;
	v9 =	vor.u32 v5, v9;
	v10 =	vand.u32 $0x1FC00, v10;
	v6 =	vld.idx.msk [tilespmem:v6+s9+$0x0], $0xffff  }
0xa7: {  	v10 =	vor.u32 v10, v11;
	v7 =	vld.idx.msk [tilespmem:v7+s9+$0x0], $0xffff  }
0xa8: {  	v10 =	vor.u32 v5, v10  }
0xa9: {  	v8 =	vld.idx.msk [tilespmem:v8+s9+$0x0], $0xffff;
	_ =	sdelay $0x1  }
0xaa: {  	v9 =	vld.idx.msk [tilespmem:v9+s9+$0x0], $0xffff  }
0xab: {  	s22 =	simm.s32 $0x50;
	v7 =	vadd.f32 v7, v6  }
0xac: {  	v12 =	vadd.s32 s22, v2;
	v11 =	vadd.s32 s22, v1;
	v10 =	vld.idx.msk [tilespmem:v10+s9+$0x0], $0xffff  }
0xad: {  	v13 =	vshll.u32 v11, $0x3;
	v7 =	vadd.f32 v8, v7;
	v8 =	vadd.s32 s22, v0  }
0xae: {  	v11 =	vand.u32 $0x7F, v11;
	v14 =	vand.u32 $0x7F, v8;
	v8 =	vshll.u32 v8, $0x3  }
0xaf: {  	s30 =	sshll.u32 s20, $0x7;
	v13 =	vand.u32 $0x7FFFFC00, v13;
	v7 =	vadd.f32 v9, v7;
	v8 =	vand.u32 $0x7FFFFC00, v8  }
0xb0: {  	v6 =	vmov s30;
	v9 =	vshll.u32 v12, $0x3;
	v8 =	vor.u32 v8, v14  }
0xb1: {  	v9 =	vand.u32 $0x7FFFFC00, v9;
	v7 =	vadd.f32 v10, v7;
	v8 =	vor.u32 v5, v8  }
0xb2: {  	s31 =	simm.s32 $0x0;
	s23 =	sand.u32 $0x1C00, s19;
	v10 =	vor.u32 v13, v11;
	v11 =	vand.u32 $0x7F, v12;
	v12 =	vadd.s32 s22, v3  }
0xb3: {  	s26 =	sadd.s32 $0x11C00, s23;
	s21 =	sand.u32 $0x60, s31;
	v10 =	vor.u32 v5, v10;
	v9 =	vor.u32 v9, v11;
	v7 =	vmul.f32 $2.000000030e-01, v7  }
0xb4: {  	s21 =	sor.u32 s21, s26;
	v11 =	vadd.s32 s22, v4;
	v13 =	vshll.u32 v12, $0x3;
	v12 =	vand.u32 $0x7F, v12  }
0xb5: {  	v9 =	vor.u32 v5, v9;
	v13 =	vand.u32 $0x7FFFFC00, v13;
	[tilespmem:v6+s21+$0x0 ss:$0x1] =	vst.idx.msk $0xffff, v7;
	v7 =	vshll.u32 v11, $0x3  }
0xb6: {  	v12 =	vor.u32 v13, v12;
	v11 =	vand.u32 $0x7F, v11;
	v7 =	vand.u32 $0x7FFFFC00, v7  }
0xb7: {  	v8 =	vld.idx.msk [tilespmem:v8+s9+$0x0], $0xffff;
	v7 =	vor.u32 v7, v11;
	v11 =	vor.u32 v5, v12  }
0xb8: {  	v13 =	vld.idx.msk [tilespmem:v10+s9+$0x0], $0xffff  }
0xb9: {  	s28 =	simm.s32 $0xA0;
	v14 =	vor.u32 v5, v7  }
0xba: {  	v12 =	vadd.s32 s28, v1;
	v10 =	vadd.s32 s28, v3;
	v16 =	vld.idx.msk [tilespmem:v9+s9+$0x0], $0xffff;
	v7 =	vadd.s32 s28, v0  }
0xbb: {  	v9 =	vadd.s32 s28, v2;
	v17 =	vshll.u32 v12, $0x3;
	v15 =	vshll.u32 v7, $0x3  }
0xbc: {  	v12 =	vand.u32 $0x7F, v12;
	v7 =	vand.u32 $0x7F, v7;
	v15 =	vand.u32 $0x1FC00, v15;
	v11 =	vld.idx.msk [tilespmem:v11+s9+$0x0], $0xffff  }
0xbd: {  	v17 =	vand.u32 $0x1FC00, v17;
	v7 =	vor.u32 v15, v7;
	v18 =	vadd.f32 v13, v8  }
0xbe: {  	s24 =	simm.s32 $0x2;
	s25 =	simm.s32 $0x10;
	v15 =	vshll.u32 v9, $0x3;
	v7 =	vor.u32 v5, v7;
	v8 =	vor.u32 v17, v12;
	v13 =	vld.idx.msk [tilespmem:v14+s9+$0x0], $0xffff  }
0xbf: {  	s23 =	simm.s32 $0x0;
	s22 =	simm.s32 $0x10;
	s21 =	simm.s32 $0xF0;
	v12 =	vand.u32 $0x7F, v10;
	v8 =	vor.u32 v5, v8;
	v14 =	vadd.f32 v16, v18  }
.LBB2_12:
0xc0: {  	s24 =	sadd.s32 $0x2, s24;
	v9 =	vand.u32 $0x7F, v9;
	v15 =	vand.u32 $0x1FC00, v15;
	v10 =	vshll.u32 v10, $0x3;
	s22 =	sadd.s32 $0x20, s22;
	s23 =	sadd.s32 $0x100, s23  }
0xc1: {  	p0 =	slt.u32 s24, $0x30;
	v9 =	vor.u32 v15, v9;
	v10 =	vand.u32 $0x1FC00, v10;
	v11 =	vadd.f32 v11, v14  }
0xc2: {  	v9 =	vor.u32 v5, v9;
	v10 =	vor.u32 v10, v12;
	v12 =	vadd.s32 s28, v4  }
0xc3: {  	v14 =	vshll.u32 v12, $0x3;
	v11 =	vadd.f32 v13, v11  }
0xc4: {  	v10 =	vor.u32 v5, v10;
	v12 =	vand.u32 $0x7F, v12;
	v13 =	vand.u32 $0x1FC00, v14  }
0xc5: {  	s28 =	sand.u32 $0x70, s25;
	s25 =	smov.u32 s22;
	v12 =	vor.u32 v13, v12;
	v11 =	vmul.f32 $2.000000030e-01, v11  }
0xc6: {  	s26 =	sor.u32 s28, s26  }
0xc7: {  	[tilespmem:v6+s26+$0x0 ss:$0x1] =	vst.idx.msk $0xffff, v11  }
0xc8: {  	v7 =	vld.idx.msk [tilespmem:v7+s9+$0x0], $0xffff  }
0xc9: {  	v8 =	vld.idx.msk [tilespmem:v8+s9+$0x0], $0xffff  }
0xca: {  	v11 =	vor.u32 v5, v12  }
0xcb: {  	v9 =	vld.idx.msk [tilespmem:v9+s9+$0x0], $0xffff;
	_ =	sdelay $0x1  }
0xcc: {  	v10 =	vld.idx.msk [tilespmem:v10+s9+$0x0], $0xffff;
	_ =	sdelay $0x1  }
0xcd: {  	v7 =	vadd.f32 v8, v7;
	v8 =	vld.idx.msk [tilespmem:v11+s9+$0x0], $0xffff  }
0xce: {  	v13 =	vadd.s32 s21, v4;
	v12 =	vadd.s32 s21, v2;
	v11 =	vadd.s32 s21, v1  }
0xcf: {  	v7 =	vadd.f32 v9, v7;
	v9 =	vadd.s32 s21, v0;
	v14 =	vshll.u32 v11, $0x3  }
0xd0: {  	v16 =	vand.u32 $0x7F, v12;
	v15 =	vand.u32 $0x7F, v9;
	v9 =	vshll.u32 v9, $0x3  }
0xd1: {  	v7 =	vadd.f32 v10, v7;
	v9 =	vand.u32 $0x7FFFFC00, v9;
	v10 =	vshll.u32 v12, $0x3  }
0xd2: {  	v11 =	vand.u32 $0x7F, v11;
	v12 =	vand.u32 $0x7FFFFC00, v14;
	v9 =	vor.u32 v9, v15  }
0xd3: {  	v7 =	vadd.f32 v8, v7;
	v8 =	vor.u32 v5, v9;
	v9 =	vor.u32 v12, v11  }
0xd4: {  	s28 =	sand.u32 $0x1C00, s23;
	s26 =	sadd.s32 $0xFFFFFFF0, s22;
	v10 =	vand.u32 $0x7FFFFC00, v10;
	v11 =	vadd.s32 s21, v3;
	v9 =	vor.u32 v5, v9  }
0xd5: {  	s29 =	sand.u32 $0x60, s26;
	s26 =	sadd.s32 $0x11C00, s28;
	v10 =	vor.u32 v10, v16;
	v12 =	vshll.u32 v11, $0x3;
	v7 =	vmul.f32 $2.000000030e-01, v7  }
0xd6: {  	s28 =	sor.u32 s29, s26;
	v10 =	vor.u32 v5, v10;
	v11 =	vand.u32 $0x7F, v11;
	v12 =	vand.u32 $0x7FFFFC00, v12  }
0xd7: {  	[tilespmem:v6+s28+$0x0 ss:$0x1] =	vst.idx.msk $0xffff, v7;
	v7 =	vor.u32 v12, v11;
	v11 =	vshll.u32 v13, $0x3  }
0xd8: {  	v12 =	vand.u32 $0x7F, v13;
	v8 =	vld.idx.msk [tilespmem:v8+s9+$0x0], $0xffff;
	v7 =	vor.u32 v5, v7;
	v11 =	vand.u32 $0x7FFFFC00, v11  }
0xd9: {  	v13 =	vld.idx.msk [tilespmem:v9+s9+$0x0], $0xffff;
	v9 =	vor.u32 v11, v12  }
0xda: {  	s21 =	sadd.s32 $0xA0, s21;
	v12 =	vor.u32 v5, v9  }
0xdb: {  	s28 =	sadd.s32 $0xFFFFFFB0, s21;
	v14 =	vld.idx.msk [tilespmem:v10+s9+$0x0], $0xffff  }
0xdc: {  	v15 =	vadd.s32 s28, v0;
	v16 =	vadd.s32 s28, v1;
	v9 =	vadd.s32 s28, v2  }
.Ltmp5:
0xdd: {  	v17 =	vshll.u32 v15, $0x3;
	v18 =	vshll.u32 v16, $0x3;
	v10 =	vadd.s32 s28, v3;
	v11 =	vld.idx.msk [tilespmem:v7+s9+$0x0], $0xffff;
	(pc) =	sbr.rel @p0 .LBB2_12-.Ltmp5, $4  }
0xde: {  	v7 =	vand.u32 $0x7F, v15;
	v15 =	vand.u32 $0x1FC00, v17;
	v17 =	vand.u32 $0x1FC00, v18  }
0xdf: {  	v7 =	vor.u32 v15, v7;
	v15 =	vand.u32 $0x7F, v16;
	v16 =	vadd.f32 v13, v8;
	v13 =	vld.idx.msk [tilespmem:v12+s9+$0x0], $0xffff  }
0xe0: {  	v7 =	vor.u32 v5, v7;
	v8 =	vor.u32 v17, v15;
	v12 =	vand.u32 $0x7F, v10  }
0xe1: {  	v15 =	vshll.u32 v9, $0x3;
	v8 =	vor.u32 v5, v8;
	v14 =	vadd.f32 v14, v16  }
0xe2: {  	_ = 	snop  }
0xe3: {  	v11 =	vadd.f32 v11, v14;
	_ =	sdelay $0x1  }
0xe4: {  	v11 =	vadd.f32 v13, v11  }
0xe5: {  	v9 =	vand.u32 $0x7F, v9;
	v45 =	vand.u32 $0x1FC00, v15  }
0xe6: {  	v10 =	vshll.u32 v10, $0x3;
	s24 =	sand.u32 $0x70, s25;
	v9 =	vor.u32 v45, v9;
	v11 =	vmul.f32 $2.000000030e-01, v11  }
0xe7: {  	v46 =	vadd.s32 s28, v4;
	v10 =	vand.u32 $0x1FC00, v10;
	s24 =	sor.u32 s24, s26;
	v9 =	vor.u32 v5, v9  }
0xe8: {  	v47 =	vshll.u32 v46, $0x3;
	v10 =	vor.u32 v10, v12;
	[tilespmem:v6+s24+$0x0 ss:$0x1] =	vst.idx.msk $0xffff, v11  }
0xe9: {  	v48 =	vand.u32 $0x7F, v46;
	v12 =	vand.u32 $0x1FC00, v47;
	v10 =	vor.u32 v5, v10;
	v7 =	vld.idx.msk [tilespmem:v7+s9+$0x0], $0xffff  }
0xea: {  	v11 =	vor.u32 v12, v48;
	v8 =	vld.idx.msk [tilespmem:v8+s9+$0x0], $0xffff  }
0xeb: {  	v11 =	vor.u32 v5, v11  }
0xec: {  	v9 =	vld.idx.msk [tilespmem:v9+s9+$0x0], $0xffff;
	_ =	sdelay $0x1  }
0xed: {  	v10 =	vld.idx.msk [tilespmem:v10+s9+$0x0], $0xffff  }
0xee: {  	v7 =	vadd.f32 v8, v7  }
0xef: {  	v50 =	vadd.s32 s21, v1;
	v51 =	vadd.s32 s21, v2;
	v52 =	vadd.s32 s21, v4;
	v49 =	vld.idx.msk [tilespmem:v11+s9+$0x0], $0xffff  }
0xf0: {  	v53 =	vadd.s32 s21, v0;
	v60 =	vadd.s32 s21, v3;
	v7 =	vadd.f32 v9, v7  }
0xf1: {  	v54 =	vshll.u32 v50, $0x3;
	v55 =	vand.u32 $0x7F, v53;
	v9 =	vshll.u32 v53, $0x3  }
0xf2: {  	v56 =	vshll.u32 v51, $0x3;
	v9 =	vand.u32 $0x7FFFFC00, v9;
	v7 =	vadd.f32 v10, v7  }
0xf3: {  	v57 =	vand.u32 $0x7FFFFC00, v54;
	v11 =	vand.u32 $0x7F, v50;
	v9 =	vor.u32 v9, v55  }
0xf4: {  	s22 =	sadd.s32 $0x20, s22;
	s23 =	sadd.s32 $0x100, s23;
	v59 =	vor.u32 v57, v11;
	v58 =	vor.u32 v5, v9;
	v7 =	vadd.f32 v49, v7  }
0xf5: {  	v16 =	vand.u32 $0x7F, v51;
	s29 =	sadd.s32 $0xFFFFFFF0, s22;
	s23 =	sand.u32 $0x1C00, s23;
	v10 =	vand.u32 $0x7FFFFC00, v56;
	v9 =	vor.u32 v5, v59  }
0xf6: {  	v61 =	vshll.u32 v60, $0x3;
	s30 =	sand.u32 $0x60, s29;
	s23 =	sadd.s32 $0x11C00, s23;
	v10 =	vor.u32 v10, v16;
	v7 =	vmul.f32 $2.000000030e-01, v7  }
0xf7: {  	s21 =	sor.u32 s30, s23;
	v12 =	vand.u32 $0x7FFFFC00, v61;
	v11 =	vand.u32 $0x7F, v60;
	v10 =	vor.u32 v5, v10  }
0xf8: {  	v62 =	vshll.u32 v52, $0x3;
	[tilespmem:v6+s21+$0x0 ss:$0x1] =	vst.idx.msk $0xffff, v7;
	v7 =	vor.u32 v12, v11  }
0xf9: {  	v63 =	vand.u32 $0x7F, v52;
	v11 =	vand.u32 $0x7FFFFC00, v62;
	v8 =	vld.idx.msk [tilespmem:v58+s9+$0x0], $0xffff;
	v7 =	vor.u32 v5, v7  }
0xfa: {  	v9 =	vld.idx.msk [tilespmem:v9+s9+$0x0], $0xffff;
	v11 =	vor.u32 v11, v63  }
0xfb: {  	v5 =	vor.u32 v5, v11  }
0xfc: {  	v10 =	vld.idx.msk [tilespmem:v10+s9+$0x0], $0xffff;
	_ =	sdelay $0x1  }
0xfd: {  	v7 =	vld.idx.msk [tilespmem:v7+s9+$0x0], $0xffff  }
0xfe: {  	v8 =	vadd.f32 v9, v8  }
0xff: {  	v5 =	vld.idx.msk [tilespmem:v5+s9+$0x0], $0xffff  }
0x100: {  	v8 =	vadd.f32 v10, v8;
	_ =	sdelay $0x1  }
0x101: {  	s20 =	sadd.s32 $0x1, s20;
	v7 =	vadd.f32 v7, v8  }
0x102: {  	p0 =	sne.s32 s20, $0x8  }
.Ltmp6:
0x103: {  	v5 =	vadd.f32 v5, v7;
	(pc) =	sbr.rel @p0 .LBB2_11-.Ltmp6, $4  }
0x104: {  	_ = 	snop  }
0x105: {  	s31 =	sand.u32 $0x70, s22;
	v5 =	vmul.f32 $2.000000030e-01, v5  }
0x106: {  	s21 =	sor.u32 s31, s23  }
0x107: {  	[tilespmem:v6+s21+$0x0 ss:$0x1] =	vst.idx.msk $0xffff, v5  }
0x108: {  	s17 =	sadd.s32 $0x1, s17  }
0x109: {  	p0 =	sne.s32 s17, $0x26  }
.Ltmp7:
0x10a: {  	_ = 	snop;
	(pc) =	sbr.rel @p0 .LBB2_2-.Ltmp7, $3  }
0x10b: {  	s18 =	smul.u32 $0x380, s18;
	_ =	sdelay $0x1  }
0x10c: {  	s18 =	sadd.s32 s4, s18  }
0x10d: {  	[hbm4b:s18+s2] =	stream.linear.scatter [tilespmem:s14], [sflag:$0x4], $0x1C00, $0x38;
	[tilespmem:$0x13800] =	vst v63  }
0x10e: {  	s16 =	sadd.s32 $0x1, s16  }
0x10f: {  	_ =	swait.ge [sflag:s15], $0x1C00;
	p0 =	sne.s32 s16, s7  }
.Ltmp8:
0x110: {  	[sflag:s15] =	ssyncset.done $0x0;
	(pc) =	sbr.rel @p0 .LBB2_1-.Ltmp8, $4  }
0x111: {  	[sflag:s15] =	ssyncadd.s32 $0xFFFFE400  }
0x112: {  	_ =	swait.ge [sflag:s13], $0x1C00  }
0x113: {  	[sflag:s13] =	ssyncset.done $0x0  }
0x114: {  	[sflag:s13] =	ssyncadd.s32 $0xFFFFE400  }
0x115: {  	_ =	sfence.sel $0x180000  }
0x116: {  	[bflag:$0x0] =	sbarrier.arrive $0xFFFF  }
0x117: {  	p0 =	sne.s32 s1, $0x0;
	_ =	strace $0x90000047  }
0x118: {  	s0 =	sadd.s32 @!p0 $0x100000, s0;
	[bflag:$0x2] =	sbarrier.arrive $0xFFFF  }
0x119: {  	[sflag:s0] =	ssyncadd.tile.s32 @!p0 $0x1;
	_ =	shalt  }
.Lfunc_end2:
_tile_overlayer_lowered:
.L_overlay_start_2:
0x11a: {  	(tag) =	ssettag $0x2  }
0x11b: {  	s0 =	rddreg [dreg:$0x0];
	s2 =	stileid.u32  }
0x11c: {  	s1 =	rddreg [dreg:$0x1];
	p0 =	sne.s32 s2, $0x0  }
0x11d: {  	s3 =	rddreg [dreg:$0x2];
	[bflag:$0x3] =	sbarrier.arrive $0xFFFF;
	s2 =	simm.s32 @!p0 $0x1C05  }
0x11e: {  	[timem:s3], [sflag:s2] =	dma.local @!p0 [hbm:s0], s1  }
0x11f: {  	s0 =	simm.s32 @!p0 $0x5  }
0x120: {  	_ =	swait.ge @!p0 [sflag:s0], s1  }
0x121: {  	s1 =	ssub.s32 @!p0 $0x0, s1;
	[sflag:s0] =	ssyncset.done @!p0 $0x0  }
0x122: {  	[sflag:s0] =	ssyncadd.s32 @!p0 s1  }
0x123: {  	[bflag:$0x3] =	sbarrier.arrive $0xFFFF  }
0x124: {  	_ =	shalt  }

</sc_bundles>
